<compile_context>
chip_gen: v7x
topology: tpu7x:2x2x1
jax: 0.10.2.dev20260603
libtpu: 0.0.44.dev20260713+nightly
codegen_flags: <defaults>
</compile_context>

<pallas_src>
import functools

import jax
import jax.numpy as jnp
from jax import lax
from jax.experimental import pallas as pl
from jax.experimental.pallas import tpu as pltpu
from jax.experimental.pallas import tpu_sc as plsc

N = 65536
H = 1024
NUM_ELEMENTS = 100
B = 1024
T = 2048
EPAD = 128
CH = 4
TC_ = T // CH

NSUB = 16
CHUNK = N // NSUB
ROWS = CHUNK // 128


def _fold_body(emb_ref, W1_ref, b1_ref, E1_ref):
    E1_ref[...] = (jnp.dot(emb_ref[...].astype(jnp.bfloat16), W1_ref[...],
                           preferred_element_type=jnp.float32)
                   + b1_ref[...]).astype(jnp.bfloat16)


def _mlp_body(z_ref, pos_ref, E1_ref, Wp_ref, W1_ref, W2_ref, b2_ref,
              y_ref):
    W2r = W2_ref[...]
    pas = []
    for c in range(CH):
        rs = pl.ds(c * TC_, TC_)
        pas.append(jnp.dot(pos_ref[rs, :], Wp_ref[...],
                           preferred_element_type=jnp.float32))
    xps = [jnp.tanh(pa).astype(jnp.bfloat16) for pa in pas]

    hs = [None] * CH
    for c in range(CH + 1):
        if c < CH:
            rs = pl.ds(c * TC_, TC_)
            z = z_ref[rs, :]
            onehot_z = (z == lax.broadcasted_iota(jnp.int32, (TC_, EPAD), 1)
                        ).astype(jnp.bfloat16)
            hs[c] = (jnp.dot(onehot_z, E1_ref[...],
                             preferred_element_type=jnp.float32)
                     + jnp.dot(xps[c], W1_ref[...],
                               preferred_element_type=jnp.float32))
        if c > 0:
            h = hs[c - 1]
            h = h * (0.5 * jnp.tanh(0.5 * h) + 0.5)
            y = jnp.sum(h * W2r, axis=1, keepdims=True)
            y_ref[pl.ds((c - 1) * TC_, TC_), :] = y + b2_ref[0, 0]


def _atom_mlp(z, pos, emb, Wp, W1, b1, W2, b2, interpret=False):
    z2 = z.reshape(N, 1).astype(jnp.int32)
    embp = jnp.zeros((EPAD, H), jnp.float32).at[:NUM_ELEMENTS].set(emb)
    W1b = W1.astype(jnp.bfloat16)
    Wpb = Wp.astype(jnp.bfloat16)
    posb = pos.astype(jnp.bfloat16)
    b1r = b1.reshape(1, H // 2)
    W2r = W2.reshape(1, H // 2)
    b2r = jnp.asarray(b2, jnp.float32).reshape(1, 1)

    E1 = pl.pallas_call(
        _fold_body,
        in_specs=[
            pl.BlockSpec((EPAD, H), lambda: (0, 0)),
            pl.BlockSpec((H, H // 2), lambda: (0, 0)),
            pl.BlockSpec((1, H // 2), lambda: (0, 0)),
        ],
        out_specs=pl.BlockSpec((EPAD, H // 2), lambda: (0, 0)),
        out_shape=jax.ShapeDtypeStruct((EPAD, H // 2), jnp.bfloat16),
        interpret=interpret,
    )(embp, W1b, b1r)

    return pl.pallas_call(
        _mlp_body,
        grid=(N // T,),
        in_specs=[
            pl.BlockSpec((T, 1), lambda i: (i, 0)),
            pl.BlockSpec((T, 3), lambda i: (i, 0)),
            pl.BlockSpec((EPAD, H // 2), lambda i: (0, 0)),
            pl.BlockSpec((3, H), lambda i: (0, 0)),
            pl.BlockSpec((H, H // 2), lambda i: (0, 0)),
            pl.BlockSpec((1, H // 2), lambda i: (0, 0)),
            pl.BlockSpec(memory_space=pltpu.SMEM),
        ],
        out_specs=pl.BlockSpec((T, 1), lambda i: (i, 0)),
        out_shape=jax.ShapeDtypeStruct((N, 1), jnp.float32),
        interpret=interpret,
    )(z2, posb, E1, Wpb, W1b, W2r, b2r)


def _pool_body(y_hbm, idx_hbm, std_hbm, mean_hbm, out_hbm,
               y_v, idx_v, zero_v, acc_shared, tmp_v, scl_v, sem):
    cid = lax.axis_index("c")
    sid = lax.axis_index("s")

    @pl.when(cid == 0)
    def _():
        pltpu.sync_copy(y_hbm.at[sid], y_v)
        pltpu.sync_copy(idx_hbm.at[sid], idx_v)

        @pl.when(sid == 0)
        def _():
            for j in range(B // 16):
                zero_v[pl.ds(j * 16, 16)] = jnp.zeros((16,), jnp.float32)
            pltpu.sync_copy(zero_v, acc_shared)

        plsc.subcore_barrier()
        handles = [
            pltpu.async_copy(y_v.at[j], acc_shared.at[idx_v.at[j]], sem,
                             add=True)
            for j in range(ROWS)
        ]
        for hd in handles:
            hd.wait()
        plsc.subcore_barrier()

        pltpu.sync_copy(std_hbm, scl_v.at[0])
        pltpu.sync_copy(mean_hbm, scl_v.at[1])
        pltpu.sync_copy(acc_shared.at[pl.ds(sid * (B // NSUB), B // NSUB)],
                        tmp_v)
        stdv = scl_v[0, :]
        meanv = scl_v[1, :]
        for j in range(B // NSUB // 16):
            sl = pl.ds(j * 16, 16)
            tmp_v[sl] = tmp_v[sl] * stdv + meanv
        pltpu.sync_copy(tmp_v, out_hbm.at[pl.ds(sid * (B // NSUB), B // NSUB)])


def _make_pool():
    return functools.partial(
        pl.kernel,
        mesh=plsc.VectorSubcoreMesh(core_axis_name="c", subcore_axis_name="s"),
        out_type=jax.ShapeDtypeStruct((B,), jnp.float32),
        scratch_types=[
            pltpu.VMEM((ROWS, 128), jnp.float32),
            pltpu.VMEM((ROWS, 128), jnp.int32),
            pltpu.VMEM((B,), jnp.float32),
            pltpu.VMEM_SHARED((B,), jnp.float32),
            pltpu.VMEM((B // NSUB,), jnp.float32),
            pltpu.VMEM((2, 16), jnp.float32),
            pltpu.SemaphoreType.DMA,
        ],
    )(_pool_body)


@jax.jit
def kernel(z, pos, batch, emb, Wp, W1, b1, W2, b2, mean, std):
    y = _atom_mlp(z, pos, emb, Wp, W1, b1, W2, b2)
    y3 = y.reshape(NSUB, ROWS, 128)
    idx3 = batch.astype(jnp.int32).reshape(NSUB, ROWS, 128)
    stdv = jnp.full((16,), std, jnp.float32)
    meanv = jnp.full((16,), mean, jnp.float32)
    out = _make_pool()(y3, idx3, stdv, meanv)
    return out.reshape(B, 1)

# --- scband reference (transcript-rebuilt; emitter-appended) ---
"""Pipeline reference for scband-output-network-51402168598623 (READ-ONLY COPY).

The authoritative reference and input builder live on the scoring server;
editing this copy changes nothing except your own understanding.
"""

import jax, jax.numpy as jnp
import numpy as np

N = 65536          # total atoms
H = 1024           # hidden_channels
NUM_ELEMENTS = 100 # atomic number vocab
B = 1024           # molecules (segments)


def setup_inputs(seed: int = 0) -> dict:
    key = jax.random.key(seed)
    ks = jax.random.split(key, 8)
    z = jax.random.randint(ks[0], (N,), 0, NUM_ELEMENTS)
    pos = jax.random.normal(ks[1], (N, 3), dtype=jnp.float32)
    batch = jnp.sort(jax.random.randint(ks[2], (N,), 0, B))
    # representation model surrogate params (atom-type embedding + position lift)
    emb = jax.random.normal(ks[3], (NUM_ELEMENTS, H), dtype=jnp.float32) * 0.02
    Wp = jax.random.normal(ks[4], (3, H), dtype=jnp.float32) * 0.02
    # output network (single 'default' head): Linear(H, H//2) -> SiLU -> Linear(H//2, 1)
    W1 = jax.random.normal(ks[5], (H, H // 2), dtype=jnp.float32) * (1.0 / np.sqrt(H))
    b1 = jnp.zeros((H // 2,), dtype=jnp.float32)
    W2 = jax.random.normal(ks[6], (H // 2, 1), dtype=jnp.float32) * (1.0 / np.sqrt(H // 2))
    b2 = jnp.zeros((1,), dtype=jnp.float32)
    mean = jnp.float32(0.0)
    std = jnp.float32(1.0)
    return {"z": z, "pos": pos, "batch": batch, "emb": emb, "Wp": Wp,
            "W1": W1, "b1": b1, "W2": W2, "b2": b2, "mean": mean, "std": std}


def reference(z, pos, batch, emb, Wp, W1, b1, W2, b2, mean, std):
    # representation model: per-atom features from atomic number embedding + position lift
    x = jnp.take(emb, z, axis=0) + jnp.tanh(pos @ Wp)          # [N, H]
    # output head (heads=['default'] -> single MLP, hstack is identity)
    h = jax.nn.silu(x @ W1 + b1)                               # [N, H//2]
    y = h @ W2 + b2                                            # [N, 1]
    # dipole=False, prior_model=None -> scatter-reduce 'add' over molecules
    out = jax.ops.segment_sum(y, batch, num_segments=B)        # [B, 1]
    # standardization buffers (std then mean)
    out = out * std
    out = out + mean
    # derivative=False -> return (out, None); return out array
    return out

if __name__ == "__main__":
    import jax
    _d = setup_inputs()
    print(jax.jit(kernel)(*tuple(_d.values())))

</pallas_src>

<mosaic_0001>
#map = affine_map<(d0, d1) -> (0, 0, 0)>
#map1 = affine_map<(d0, d1) -> (0)>
module attributes {stable_mosaic.version = 14 : i64} {
  func.func @_pool_body(%arg0: i32, %arg1: i32, %arg2: memref<16x32x128xf32, #tpu.memory_space<hbm>>, %arg3: memref<16x32x128xi32, #tpu.memory_space<hbm>>, %arg4: memref<16xf32, #tpu.memory_space<hbm>>, %arg5: memref<16xf32, #tpu.memory_space<hbm>>, %arg6: memref<1024xf32, #tpu.memory_space<hbm>>, %arg7: memref<32x128xf32, #tpu.memory_space<vmem>>, %arg8: memref<32x128xi32, #tpu.memory_space<vmem>>, %arg9: memref<1024xf32, #tpu.memory_space<vmem>>, %arg10: memref<1024xf32, #tpu.memory_space<vmem_shared>>, %arg11: memref<64xf32, #tpu.memory_space<vmem>>, %arg12: memref<2x16xf32, #tpu.memory_space<vmem>>, %arg13: memref<!tpu.dma_semaphore, #tpu.memory_space<semaphore_mem>>) attributes {dimension_semantics = [#tpu.dimension_semantics<core_parallel>, #tpu.dimension_semantics<subcore_parallel>], iteration_bounds = array<i64: 2, 16>, scalar_prefetch = 0 : i64, scratch_operands = 7 : i64, tpu.core_type = #tpu.core_type<sc_vector_subcore>, window_params = [{transform_indices = #map}, {transform_indices = #map}, {transform_indices = #map1}, {transform_indices = #map1}, {transform_indices = #map1}]} {
    %eq3A = arith.constant 0 : i32
    %eq3A_0 = arith.cmpi eq, %arg0, %eq3A : i32
    %convert_element_type3A = arith.extui %eq3A_0 : i1 to i32
    %cond3A = arith.constant 0 : i32
    %cond3A_1 = arith.cmpi ne, %convert_element_type3A, %cond3A : i32
    scf.if %cond3A_1 {
      "tpu.region"() ({
        %run_scoped3A_693 = tpu.sem_alloc : memref<!tpu.dma_semaphore, #tpu.memory_space<semaphore_mem>>
        %dma_start3A_694 = arith.constant 0 : i32
        %dma_start3A_695 = arith.constant 0 : i32
        %dma_start3A_696 = tpu.memref_slice %arg2[%arg1, %dma_start3A_694, %dma_start3A_695] : memref<16x32x128xf32, #tpu.memory_space<hbm>> -> memref<1x32x128xf32, #tpu.memory_space<hbm>>
        %dma_start3A_697 = tpu.memref_squeeze %dma_start3A_696 : memref<1x32x128xf32, #tpu.memory_space<hbm>> -> memref<32x128xf32, #tpu.memory_space<hbm>>
        %dma_start3A_698 = arith.constant 0 : i32
        %dma_start3A_699 = arith.constant 0 : i32
        %dma_start3A_700 = tpu.memref_slice %arg2[%arg1, %dma_start3A_698, %dma_start3A_699] : memref<16x32x128xf32, #tpu.memory_space<hbm>> -> memref<1x32x128xf32, #tpu.memory_space<hbm>>
        %dma_start3A_701 = tpu.memref_squeeze %dma_start3A_700 : memref<1x32x128xf32, #tpu.memory_space<hbm>> -> memref<32x128xf32, #tpu.memory_space<hbm>>
        tpu.enqueue_dma source(%dma_start3A_701 : memref<32x128xf32, #tpu.memory_space<hbm>>) target(%arg7 : memref<32x128xf32, #tpu.memory_space<vmem>>) target_semaphore(%run_scoped3A_693 : memref<!tpu.dma_semaphore, #tpu.memory_space<semaphore_mem>>)
        %dma_wait3A_702 = arith.constant 0 : i32
        %dma_wait3A_703 = arith.constant 0 : i32
        %dma_wait3A_704 = tpu.memref_slice %arg2[%arg1, %dma_wait3A_702, %dma_wait3A_703] : memref<16x32x128xf32, #tpu.memory_space<hbm>> -> memref<1x32x128xf32, #tpu.memory_space<hbm>>
        %dma_wait3A_705 = tpu.memref_squeeze %dma_wait3A_704 : memref<1x32x128xf32, #tpu.memory_space<hbm>> -> memref<32x128xf32, #tpu.memory_space<hbm>>
        %dma_wait3A_706 = arith.constant 0 : i32
        %dma_wait3A_707 = arith.constant 0 : i32
        %dma_wait3A_708 = tpu.memref_slice %arg2[%arg1, %dma_wait3A_706, %dma_wait3A_707] : memref<16x32x128xf32, #tpu.memory_space<hbm>> -> memref<1x32x128xf32, #tpu.memory_space<hbm>>
        %dma_wait3A_709 = tpu.memref_squeeze %dma_wait3A_708 : memref<1x32x128xf32, #tpu.memory_space<hbm>> -> memref<32x128xf32, #tpu.memory_space<hbm>>
        tpu.wait_dma2 semaphore(%run_scoped3A_693 : memref<!tpu.dma_semaphore, #tpu.memory_space<semaphore_mem>>) src(%dma_wait3A_709 : memref<32x128xf32, #tpu.memory_space<hbm>>) dst(%arg7 : memref<32x128xf32, #tpu.memory_space<vmem>>)
        tpu.yield
      }) : () -> ()
      "tpu.region"() ({
        %run_scoped3A_693 = tpu.sem_alloc : memref<!tpu.dma_semaphore, #tpu.memory_space<semaphore_mem>>
        %dma_start3A_694 = arith.constant 0 : i32
        %dma_start3A_695 = arith.constant 0 : i32
        %dma_start3A_696 = tpu.memref_slice %arg3[%arg1, %dma_start3A_694, %dma_start3A_695] : memref<16x32x128xi32, #tpu.memory_space<hbm>> -> memref<1x32x128xi32, #tpu.memory_space<hbm>>
        %dma_start3A_697 = tpu.memref_squeeze %dma_start3A_696 : memref<1x32x128xi32, #tpu.memory_space<hbm>> -> memref<32x128xi32, #tpu.memory_space<hbm>>
        %dma_start3A_698 = arith.constant 0 : i32
        %dma_start3A_699 = arith.constant 0 : i32
        %dma_start3A_700 = tpu.memref_slice %arg3[%arg1, %dma_start3A_698, %dma_start3A_699] : memref<16x32x128xi32, #tpu.memory_space<hbm>> -> memref<1x32x128xi32, #tpu.memory_space<hbm>>
        %dma_start3A_701 = tpu.memref_squeeze %dma_start3A_700 : memref<1x32x128xi32, #tpu.memory_space<hbm>> -> memref<32x128xi32, #tpu.memory_space<hbm>>
        tpu.enqueue_dma source(%dma_start3A_701 : memref<32x128xi32, #tpu.memory_space<hbm>>) target(%arg8 : memref<32x128xi32, #tpu.memory_space<vmem>>) target_semaphore(%run_scoped3A_693 : memref<!tpu.dma_semaphore, #tpu.memory_space<semaphore_mem>>)
        %dma_wait3A_702 = arith.constant 0 : i32
        %dma_wait3A_703 = arith.constant 0 : i32
        %dma_wait3A_704 = tpu.memref_slice %arg3[%arg1, %dma_wait3A_702, %dma_wait3A_703] : memref<16x32x128xi32, #tpu.memory_space<hbm>> -> memref<1x32x128xi32, #tpu.memory_space<hbm>>
        %dma_wait3A_705 = tpu.memref_squeeze %dma_wait3A_704 : memref<1x32x128xi32, #tpu.memory_space<hbm>> -> memref<32x128xi32, #tpu.memory_space<hbm>>
        %dma_wait3A_706 = arith.constant 0 : i32
        %dma_wait3A_707 = arith.constant 0 : i32
        %dma_wait3A_708 = tpu.memref_slice %arg3[%arg1, %dma_wait3A_706, %dma_wait3A_707] : memref<16x32x128xi32, #tpu.memory_space<hbm>> -> memref<1x32x128xi32, #tpu.memory_space<hbm>>
        %dma_wait3A_709 = tpu.memref_squeeze %dma_wait3A_708 : memref<1x32x128xi32, #tpu.memory_space<hbm>> -> memref<32x128xi32, #tpu.memory_space<hbm>>
        tpu.wait_dma2 semaphore(%run_scoped3A_693 : memref<!tpu.dma_semaphore, #tpu.memory_space<semaphore_mem>>) src(%dma_wait3A_709 : memref<32x128xi32, #tpu.memory_space<hbm>>) dst(%arg8 : memref<32x128xi32, #tpu.memory_space<vmem>>)
        tpu.yield
      }) : () -> ()
      %eq3A_2 = arith.constant 0 : i32
      %eq3A_3 = arith.cmpi eq, %arg1, %eq3A_2 : i32
      %convert_element_type3A_4 = arith.extui %eq3A_3 : i1 to i32
      %cond3A_5 = arith.constant 0 : i32
      %cond3A_6 = arith.cmpi ne, %convert_element_type3A_4, %cond3A_5 : i32
      scf.if %cond3A_6 {
        %broadcast_in_dim3A = arith.constant 0.000000e+00 : f32
        %broadcast_in_dim3A_693 = vector.broadcast %broadcast_in_dim3A : f32 to vector<16xf32>
        %swap3A_694 = arith.constant 0 : index
        %swap3A_695 = tpu.vector_load %arg9[%swap3A_694] {strides = array<i32>} : memref<1024xf32, #tpu.memory_space<vmem>>, vector<16xf32>,
        %swap3A_696 = vector.shape_cast %swap3A_695 : vector<16xf32> to vector<16xf32>
        %swap3A_697 = vector.shape_cast %broadcast_in_dim3A_693 : vector<16xf32> to vector<16xf32>
        tpu.vector_store %arg9[%swap3A_694], %swap3A_697 {strides = array<i32>} : memref<1024xf32, #tpu.memory_space<vmem>>, vector<16xf32>,
        %broadcast_in_dim3A_698 = arith.constant 0.000000e+00 : f32
        %broadcast_in_dim3A_699 = vector.broadcast %broadcast_in_dim3A_698 : f32 to vector<16xf32>
        %swap3A_700 = arith.constant 16 : index
        %swap3A_701 = tpu.vector_load %arg9[%swap3A_700] {strides = array<i32>} : memref<1024xf32, #tpu.memory_space<vmem>>, vector<16xf32>,
        %swap3A_702 = vector.shape_cast %swap3A_701 : vector<16xf32> to vector<16xf32>
        %swap3A_703 = vector.shape_cast %broadcast_in_dim3A_699 : vector<16xf32> to vector<16xf32>
        tpu.vector_store %arg9[%swap3A_700], %swap3A_703 {strides = array<i32>} : memref<1024xf32, #tpu.memory_space<vmem>>, vector<16xf32>,
        %broadcast_in_dim3A_704 = arith.constant 0.000000e+00 : f32
        %broadcast_in_dim3A_705 = vector.broadcast %broadcast_in_dim3A_704 : f32 to vector<16xf32>
        %swap3A_706 = arith.constant 32 : index
        %swap3A_707 = tpu.vector_load %arg9[%swap3A_706] {strides = array<i32>} : memref<1024xf32, #tpu.memory_space<vmem>>, vector<16xf32>,
        %swap3A_708 = vector.shape_cast %swap3A_707 : vector<16xf32> to vector<16xf32>
        %swap3A_709 = vector.shape_cast %broadcast_in_dim3A_705 : vector<16xf32> to vector<16xf32>
        tpu.vector_store %arg9[%swap3A_706], %swap3A_709 {strides = array<i32>} : memref<1024xf32, #tpu.memory_space<vmem>>, vector<16xf32>,
        %broadcast_in_dim3A_710 = arith.constant 0.000000e+00 : f32
        %broadcast_in_dim3A_711 = vector.broadcast %broadcast_in_dim3A_710 : f32 to vector<16xf32>
        %swap3A_712 = arith.constant 48 : index
        %swap3A_713 = tpu.vector_load %arg9[%swap3A_712] {strides = array<i32>} : memref<1024xf32, #tpu.memory_space<vmem>>, vector<16xf32>,
        %swap3A_714 = vector.shape_cast %swap3A_713 : vector<16xf32> to vector<16xf32>
        %swap3A_715 = vector.shape_cast %broadcast_in_dim3A_711 : vector<16xf32> to vector<16xf32>
        tpu.vector_store %arg9[%swap3A_712], %swap3A_715 {strides = array<i32>} : memref<1024xf32, #tpu.memory_space<vmem>>, vector<16xf32>,
        %broadcast_in_dim3A_716 = arith.constant 0.000000e+00 : f32
        %broadcast_in_dim3A_717 = vector.broadcast %broadcast_in_dim3A_716 : f32 to vector<16xf32>
        %swap3A_718 = arith.constant 64 : index
        %swap3A_719 = tpu.vector_load %arg9[%swap3A_718] {strides = array<i32>} : memref<1024xf32, #tpu.memory_space<vmem>>, vector<16xf32>,
        %swap3A_720 = vector.shape_cast %swap3A_719 : vector<16xf32> to vector<16xf32>
        %swap3A_721 = vector.shape_cast %broadcast_in_dim3A_717 : vector<16xf32> to vector<16xf32>
        tpu.vector_store %arg9[%swap3A_718], %swap3A_721 {strides = array<i32>} : memref<1024xf32, #tpu.memory_space<vmem>>, vector<16xf32>,
        %broadcast_in_dim3A_722 = arith.constant 0.000000e+00 : f32
        %broadcast_in_dim3A_723 = vector.broadcast %broadcast_in_dim3A_722 : f32 to vector<16xf32>
        %swap3A_724 = arith.constant 80 : index
        %swap3A_725 = tpu.vector_load %arg9[%swap3A_724] {strides = array<i32>} : memref<1024xf32, #tpu.memory_space<vmem>>, vector<16xf32>,
        %swap3A_726 = vector.shape_cast %swap3A_725 : vector<16xf32> to vector<16xf32>
        %swap3A_727 = vector.shape_cast %broadcast_in_dim3A_723 : vector<16xf32> to vector<16xf32>
        tpu.vector_store %arg9[%swap3A_724], %swap3A_727 {strides = array<i32>} : memref<1024xf32, #tpu.memory_space<vmem>>, vector<16xf32>,
        %broadcast_in_dim3A_728 = arith.constant 0.000000e+00 : f32
        %broadcast_in_dim3A_729 = vector.broadcast %broadcast_in_dim3A_728 : f32 to vector<16xf32>
        %swap3A_730 = arith.constant 96 : index
        %swap3A_731 = tpu.vector_load %arg9[%swap3A_730] {strides = array<i32>} : memref<1024xf32, #tpu.memory_space<vmem>>, vector<16xf32>,
        %swap3A_732 = vector.shape_cast %swap3A_731 : vector<16xf32> to vector<16xf32>
        %swap3A_733 = vector.shape_cast %broadcast_in_dim3A_729 : vector<16xf32> to vector<16xf32>
        tpu.vector_store %arg9[%swap3A_730], %swap3A_733 {strides = array<i32>} : memref<1024xf32, #tpu.memory_space<vmem>>, vector<16xf32>,
        %broadcast_in_dim3A_734 = arith.constant 0.000000e+00 : f32
        %broadcast_in_dim3A_735 = vector.broadcast %broadcast_in_dim3A_734 : f32 to vector<16xf32>
        %swap3A_736 = arith.constant 112 : index
        %swap3A_737 = tpu.vector_load %arg9[%swap3A_736] {strides = array<i32>} : memref<1024xf32, #tpu.memory_space<vmem>>, vector<16xf32>,
        %swap3A_738 = vector.shape_cast %swap3A_737 : vector<16xf32> to vector<16xf32>
        %swap3A_739 = vector.shape_cast %broadcast_in_dim3A_735 : vector<16xf32> to vector<16xf32>
        tpu.vector_store %arg9[%swap3A_736], %swap3A_739 {strides = array<i32>} : memref<1024xf32, #tpu.memory_space<vmem>>, vector<16xf32>,
        %broadcast_in_dim3A_740 = arith.constant 0.000000e+00 : f32
        %broadcast_in_dim3A_741 = vector.broadcast %broadcast_in_dim3A_740 : f32 to vector<16xf32>
        %swap3A_742 = arith.constant 128 : index
        %swap3A_743 = tpu.vector_load %arg9[%swap3A_742] {strides = array<i32>} : memref<1024xf32, #tpu.memory_space<vmem>>, vector<16xf32>,
        %swap3A_744 = vector.shape_cast %swap3A_743 : vector<16xf32> to vector<16xf32>
        %swap3A_745 = vector.shape_cast %broadcast_in_dim3A_741 : vector<16xf32> to vector<16xf32>
        tpu.vector_store %arg9[%swap3A_742], %swap3A_745 {strides = array<i32>} : memref<1024xf32, #tpu.memory_space<vmem>>, vector<16xf32>,
        %broadcast_in_dim3A_746 = arith.constant 0.000000e+00 : f32
        %broadcast_in_dim3A_747 = vector.broadcast %broadcast_in_dim3A_746 : f32 to vector<16xf32>
        %swap3A_748 = arith.constant 144 : index
        %swap3A_749 = tpu.vector_load %arg9[%swap3A_748] {strides = array<i32>} : memref<1024xf32, #tpu.memory_space<vmem>>, vector<16xf32>,
        %swap3A_750 = vector.shape_cast %swap3A_749 : vector<16xf32> to vector<16xf32>
        %swap3A_751 = vector.shape_cast %broadcast_in_dim3A_747 : vector<16xf32> to vector<16xf32>
        tpu.vector_store %arg9[%swap3A_748], %swap3A_751 {strides = array<i32>} : memref<1024xf32, #tpu.memory_space<vmem>>, vector<16xf32>,
        %broadcast_in_dim3A_752 = arith.constant 0.000000e+00 : f32
        %broadcast_in_dim3A_753 = vector.broadcast %broadcast_in_dim3A_752 : f32 to vector<16xf32>
        %swap3A_754 = arith.constant 160 : index
        %swap3A_755 = tpu.vector_load %arg9[%swap3A_754] {strides = array<i32>} : memref<1024xf32, #tpu.memory_space<vmem>>, vector<16xf32>,
        %swap3A_756 = vector.shape_cast %swap3A_755 : vector<16xf32> to vector<16xf32>
        %swap3A_757 = vector.shape_cast %broadcast_in_dim3A_753 : vector<16xf32> to vector<16xf32>
        tpu.vector_store %arg9[%swap3A_754], %swap3A_757 {strides = array<i32>} : memref<1024xf32, #tpu.memory_space<vmem>>, vector<16xf32>,
        %broadcast_in_dim3A_758 = arith.constant 0.000000e+00 : f32
        %broadcast_in_dim3A_759 = vector.broadcast %broadcast_in_dim3A_758 : f32 to vector<16xf32>
        %swap3A_760 = arith.constant 176 : index
        %swap3A_761 = tpu.vector_load %arg9[%swap3A_760] {strides = array<i32>} : memref<1024xf32, #tpu.memory_space<vmem>>, vector<16xf32>,
        %swap3A_762 = vector.shape_cast %swap3A_761 : vector<16xf32> to vector<16xf32>
        %swap3A_763 = vector.shape_cast %broadcast_in_dim3A_759 : vector<16xf32> to vector<16xf32>
        tpu.vector_store %arg9[%swap3A_760], %swap3A_763 {strides = array<i32>} : memref<1024xf32, #tpu.memory_space<vmem>>, vector<16xf32>,
        %broadcast_in_dim3A_764 = arith.constant 0.000000e+00 : f32
        %broadcast_in_dim3A_765 = vector.broadcast %broadcast_in_dim3A_764 : f32 to vector<16xf32>
        %swap3A_766 = arith.constant 192 : index
        %swap3A_767 = tpu.vector_load %arg9[%swap3A_766] {strides = array<i32>} : memref<1024xf32, #tpu.memory_space<vmem>>, vector<16xf32>,
        %swap3A_768 = vector.shape_cast %swap3A_767 : vector<16xf32> to vector<16xf32>
        %swap3A_769 = vector.shape_cast %broadcast_in_dim3A_765 : vector<16xf32> to vector<16xf32>
        tpu.vector_store %arg9[%swap3A_766], %swap3A_769 {strides = array<i32>} : memref<1024xf32, #tpu.memory_space<vmem>>, vector<16xf32>,
        %broadcast_in_dim3A_770 = arith.constant 0.000000e+00 : f32
        %broadcast_in_dim3A_771 = vector.broadcast %broadcast_in_dim3A_770 : f32 to vector<16xf32>
        %swap3A_772 = arith.constant 208 : index
        %swap3A_773 = tpu.vector_load %arg9[%swap3A_772] {strides = array<i32>} : memref<1024xf32, #tpu.memory_space<vmem>>, vector<16xf32>,
        %swap3A_774 = vector.shape_cast %swap3A_773 : vector<16xf32> to vector<16xf32>
        %swap3A_775 = vector.shape_cast %broadcast_in_dim3A_771 : vector<16xf32> to vector<16xf32>
        tpu.vector_store %arg9[%swap3A_772], %swap3A_775 {strides = array<i32>} : memref<1024xf32, #tpu.memory_space<vmem>>, vector<16xf32>,
        %broadcast_in_dim3A_776 = arith.constant 0.000000e+00 : f32
        %broadcast_in_dim3A_777 = vector.broadcast %broadcast_in_dim3A_776 : f32 to vector<16xf32>
        %swap3A_778 = arith.constant 224 : index
        %swap3A_779 = tpu.vector_load %arg9[%swap3A_778] {strides = array<i32>} : memref<1024xf32, #tpu.memory_space<vmem>>, vector<16xf32>,
        %swap3A_780 = vector.shape_cast %swap3A_779 : vector<16xf32> to vector<16xf32>
        %swap3A_781 = vector.shape_cast %broadcast_in_dim3A_777 : vector<16xf32> to vector<16xf32>
        tpu.vector_store %arg9[%swap3A_778], %swap3A_781 {strides = array<i32>} : memref<1024xf32, #tpu.memory_space<vmem>>, vector<16xf32>,
        %broadcast_in_dim3A_782 = arith.constant 0.000000e+00 : f32
        %broadcast_in_dim3A_783 = vector.broadcast %broadcast_in_dim3A_782 : f32 to vector<16xf32>
        %swap3A_784 = arith.constant 240 : index
        %swap3A_785 = tpu.vector_load %arg9[%swap3A_784] {strides = array<i32>} : memref<1024xf32, #tpu.memory_space<vmem>>, vector<16xf32>,
        %swap3A_786 = vector.shape_cast %swap3A_785 : vector<16xf32> to vector<16xf32>
        %swap3A_787 = vector.shape_cast %broadcast_in_dim3A_783 : vector<16xf32> to vector<16xf32>
        tpu.vector_store %arg9[%swap3A_784], %swap3A_787 {strides = array<i32>} : memref<1024xf32, #tpu.memory_space<vmem>>, vector<16xf32>,
        %broadcast_in_dim3A_788 = arith.constant 0.000000e+00 : f32
        %broadcast_in_dim3A_789 = vector.broadcast %broadcast_in_dim3A_788 : f32 to vector<16xf32>
        %swap3A_790 = arith.constant 256 : index
        %swap3A_791 = tpu.vector_load %arg9[%swap3A_790] {strides = array<i32>} : memref<1024xf32, #tpu.memory_space<vmem>>, vector<16xf32>,
        %swap3A_792 = vector.shape_cast %swap3A_791 : vector<16xf32> to vector<16xf32>
        %swap3A_793 = vector.shape_cast %broadcast_in_dim3A_789 : vector<16xf32> to vector<16xf32>
        tpu.vector_store %arg9[%swap3A_790], %swap3A_793 {strides = array<i32>} : memref<1024xf32, #tpu.memory_space<vmem>>, vector<16xf32>,
        %broadcast_in_dim3A_794 = arith.constant 0.000000e+00 : f32
        %broadcast_in_dim3A_795 = vector.broadcast %broadcast_in_dim3A_794 : f32 to vector<16xf32>
        %swap3A_796 = arith.constant 272 : index
        %swap3A_797 = tpu.vector_load %arg9[%swap3A_796] {strides = array<i32>} : memref<1024xf32, #tpu.memory_space<vmem>>, vector<16xf32>,
        %swap3A_798 = vector.shape_cast %swap3A_797 : vector<16xf32> to vector<16xf32>
        %swap3A_799 = vector.shape_cast %broadcast_in_dim3A_795 : vector<16xf32> to vector<16xf32>
        tpu.vector_store %arg9[%swap3A_796], %swap3A_799 {strides = array<i32>} : memref<1024xf32, #tpu.memory_space<vmem>>, vector<16xf32>,
        %broadcast_in_dim3A_800 = arith.constant 0.000000e+00 : f32
        %broadcast_in_dim3A_801 = vector.broadcast %broadcast_in_dim3A_800 : f32 to vector<16xf32>
        %swap3A_802 = arith.constant 288 : index
        %swap3A_803 = tpu.vector_load %arg9[%swap3A_802] {strides = array<i32>} : memref<1024xf32, #tpu.memory_space<vmem>>, vector<16xf32>,
        %swap3A_804 = vector.shape_cast %swap3A_803 : vector<16xf32> to vector<16xf32>
        %swap3A_805 = vector.shape_cast %broadcast_in_dim3A_801 : vector<16xf32> to vector<16xf32>
        tpu.vector_store %arg9[%swap3A_802], %swap3A_805 {strides = array<i32>} : memref<1024xf32, #tpu.memory_space<vmem>>, vector<16xf32>,
        %broadcast_in_dim3A_806 = arith.constant 0.000000e+00 : f32
        %broadcast_in_dim3A_807 = vector.broadcast %broadcast_in_dim3A_806 : f32 to vector<16xf32>
        %swap3A_808 = arith.constant 304 : index
        %swap3A_809 = tpu.vector_load %arg9[%swap3A_808] {strides = array<i32>} : memref<1024xf32, #tpu.memory_space<vmem>>, vector<16xf32>,
        %swap3A_810 = vector.shape_cast %swap3A_809 : vector<16xf32> to vector<16xf32>
        %swap3A_811 = vector.shape_cast %broadcast_in_dim3A_807 : vector<16xf32> to vector<16xf32>
        tpu.vector_store %arg9[%swap3A_808], %swap3A_811 {strides = array<i32>} : memref<1024xf32, #tpu.memory_space<vmem>>, vector<16xf32>,
        %broadcast_in_dim3A_812 = arith.constant 0.000000e+00 : f32
        %broadcast_in_dim3A_813 = vector.broadcast %broadcast_in_dim3A_812 : f32 to vector<16xf32>
        %swap3A_814 = arith.constant 320 : index
        %swap3A_815 = tpu.vector_load %arg9[%swap3A_814] {strides = array<i32>} : memref<1024xf32, #tpu.memory_space<vmem>>, vector<16xf32>,
        %swap3A_816 = vector.shape_cast %swap3A_815 : vector<16xf32> to vector<16xf32>
        %swap3A_817 = vector.shape_cast %broadcast_in_dim3A_813 : vector<16xf32> to vector<16xf32>
        tpu.vector_store %arg9[%swap3A_814], %swap3A_817 {strides = array<i32>} : memref<1024xf32, #tpu.memory_space<vmem>>, vector<16xf32>,
        %broadcast_in_dim3A_818 = arith.constant 0.000000e+00 : f32
        %broadcast_in_dim3A_819 = vector.broadcast %broadcast_in_dim3A_818 : f32 to vector<16xf32>
        %swap3A_820 = arith.constant 336 : index
        %swap3A_821 = tpu.vector_load %arg9[%swap3A_820] {strides = array<i32>} : memref<1024xf32, #tpu.memory_space<vmem>>, vector<16xf32>,
        %swap3A_822 = vector.shape_cast %swap3A_821 : vector<16xf32> to vector<16xf32>
        %swap3A_823 = vector.shape_cast %broadcast_in_dim3A_819 : vector<16xf32> to vector<16xf32>
        tpu.vector_store %arg9[%swap3A_820], %swap3A_823 {strides = array<i32>} : memref<1024xf32, #tpu.memory_space<vmem>>, vector<16xf32>,
        %broadcast_in_dim3A_824 = arith.constant 0.000000e+00 : f32
        %broadcast_in_dim3A_825 = vector.broadcast %broadcast_in_dim3A_824 : f32 to vector<16xf32>
        %swap3A_826 = arith.constant 352 : index
        %swap3A_827 = tpu.vector_load %arg9[%swap3A_826] {strides = array<i32>} : memref<1024xf32, #tpu.memory_space<vmem>>, vector<16xf32>,
        %swap3A_828 = vector.shape_cast %swap3A_827 : vector<16xf32> to vector<16xf32>
        %swap3A_829 = vector.shape_cast %broadcast_in_dim3A_825 : vector<16xf32> to vector<16xf32>
        tpu.vector_store %arg9[%swap3A_826], %swap3A_829 {strides = array<i32>} : memref<1024xf32, #tpu.memory_space<vmem>>, vector<16xf32>,
        %broadcast_in_dim3A_830 = arith.constant 0.000000e+00 : f32
        %broadcast_in_dim3A_831 = vector.broadcast %broadcast_in_dim3A_830 : f32 to vector<16xf32>
        %swap3A_832 = arith.constant 368 : index
        %swap3A_833 = tpu.vector_load %arg9[%swap3A_832] {strides = array<i32>} : memref<1024xf32, #tpu.memory_space<vmem>>, vector<16xf32>,
        %swap3A_834 = vector.shape_cast %swap3A_833 : vector<16xf32> to vector<16xf32>
        %swap3A_835 = vector.shape_cast %broadcast_in_dim3A_831 : vector<16xf32> to vector<16xf32>
        tpu.vector_store %arg9[%swap3A_832], %swap3A_835 {strides = array<i32>} : memref<1024xf32, #tpu.memory_space<vmem>>, vector<16xf32>,
        %broadcast_in_dim3A_836 = arith.constant 0.000000e+00 : f32
        %broadcast_in_dim3A_837 = vector.broadcast %broadcast_in_dim3A_836 : f32 to vector<16xf32>
        %swap3A_838 = arith.constant 384 : index
        %swap3A_839 = tpu.vector_load %arg9[%swap3A_838] {strides = array<i32>} : memref<1024xf32, #tpu.memory_space<vmem>>, vector<16xf32>,
        %swap3A_840 = vector.shape_cast %swap3A_839 : vector<16xf32> to vector<16xf32>
        %swap3A_841 = vector.shape_cast %broadcast_in_dim3A_837 : vector<16xf32> to vector<16xf32>
        tpu.vector_store %arg9[%swap3A_838], %swap3A_841 {strides = array<i32>} : memref<1024xf32, #tpu.memory_space<vmem>>, vector<16xf32>,
        %broadcast_in_dim3A_842 = arith.constant 0.000000e+00 : f32
        %broadcast_in_dim3A_843 = vector.broadcast %broadcast_in_dim3A_842 : f32 to vector<16xf32>
        %swap3A_844 = arith.constant 400 : index
        %swap3A_845 = tpu.vector_load %arg9[%swap3A_844] {strides = array<i32>} : memref<1024xf32, #tpu.memory_space<vmem>>, vector<16xf32>,
        %swap3A_846 = vector.shape_cast %swap3A_845 : vector<16xf32> to vector<16xf32>
        %swap3A_847 = vector.shape_cast %broadcast_in_dim3A_843 : vector<16xf32> to vector<16xf32>
        tpu.vector_store %arg9[%swap3A_844], %swap3A_847 {strides = array<i32>} : memref<1024xf32, #tpu.memory_space<vmem>>, vector<16xf32>,
        %broadcast_in_dim3A_848 = arith.constant 0.000000e+00 : f32
        %broadcast_in_dim3A_849 = vector.broadcast %broadcast_in_dim3A_848 : f32 to vector<16xf32>
        %swap3A_850 = arith.constant 416 : index
        %swap3A_851 = tpu.vector_load %arg9[%swap3A_850] {strides = array<i32>} : memref<1024xf32, #tpu.memory_space<vmem>>, vector<16xf32>,
        %swap3A_852 = vector.shape_cast %swap3A_851 : vector<16xf32> to vector<16xf32>
        %swap3A_853 = vector.shape_cast %broadcast_in_dim3A_849 : vector<16xf32> to vector<16xf32>
        tpu.vector_store %arg9[%swap3A_850], %swap3A_853 {strides = array<i32>} : memref<1024xf32, #tpu.memory_space<vmem>>, vector<16xf32>,
        %broadcast_in_dim3A_854 = arith.constant 0.000000e+00 : f32
        %broadcast_in_dim3A_855 = vector.broadcast %broadcast_in_dim3A_854 : f32 to vector<16xf32>
        %swap3A_856 = arith.constant 432 : index
        %swap3A_857 = tpu.vector_load %arg9[%swap3A_856] {strides = array<i32>} : memref<1024xf32, #tpu.memory_space<vmem>>, vector<16xf32>,
        %swap3A_858 = vector.shape_cast %swap3A_857 : vector<16xf32> to vector<16xf32>
        %swap3A_859 = vector.shape_cast %broadcast_in_dim3A_855 : vector<16xf32> to vector<16xf32>
        tpu.vector_store %arg9[%swap3A_856], %swap3A_859 {strides = array<i32>} : memref<1024xf32, #tpu.memory_space<vmem>>, vector<16xf32>,
        %broadcast_in_dim3A_860 = arith.constant 0.000000e+00 : f32
        %broadcast_in_dim3A_861 = vector.broadcast %broadcast_in_dim3A_860 : f32 to vector<16xf32>
        %swap3A_862 = arith.constant 448 : index
        %swap3A_863 = tpu.vector_load %arg9[%swap3A_862] {strides = array<i32>} : memref<1024xf32, #tpu.memory_space<vmem>>, vector<16xf32>,
        %swap3A_864 = vector.shape_cast %swap3A_863 : vector<16xf32> to vector<16xf32>
        %swap3A_865 = vector.shape_cast %broadcast_in_dim3A_861 : vector<16xf32> to vector<16xf32>
        tpu.vector_store %arg9[%swap3A_862], %swap3A_865 {strides = array<i32>} : memref<1024xf32, #tpu.memory_space<vmem>>, vector<16xf32>,
        %broadcast_in_dim3A_866 = arith.constant 0.000000e+00 : f32
        %broadcast_in_dim3A_867 = vector.broadcast %broadcast_in_dim3A_866 : f32 to vector<16xf32>
        %swap3A_868 = arith.constant 464 : index
        %swap3A_869 = tpu.vector_load %arg9[%swap3A_868] {strides = array<i32>} : memref<1024xf32, #tpu.memory_space<vmem>>, vector<16xf32>,
        %swap3A_870 = vector.shape_cast %swap3A_869 : vector<16xf32> to vector<16xf32>
        %swap3A_871 = vector.shape_cast %broadcast_in_dim3A_867 : vector<16xf32> to vector<16xf32>
        tpu.vector_store %arg9[%swap3A_868], %swap3A_871 {strides = array<i32>} : memref<1024xf32, #tpu.memory_space<vmem>>, vector<16xf32>,
        %broadcast_in_dim3A_872 = arith.constant 0.000000e+00 : f32
        %broadcast_in_dim3A_873 = vector.broadcast %broadcast_in_dim3A_872 : f32 to vector<16xf32>
        %swap3A_874 = arith.constant 480 : index
        %swap3A_875 = tpu.vector_load %arg9[%swap3A_874] {strides = array<i32>} : memref<1024xf32, #tpu.memory_space<vmem>>, vector<16xf32>,
        %swap3A_876 = vector.shape_cast %swap3A_875 : vector<16xf32> to vector<16xf32>
        %swap3A_877 = vector.shape_cast %broadcast_in_dim3A_873 : vector<16xf32> to vector<16xf32>
        tpu.vector_store %arg9[%swap3A_874], %swap3A_877 {strides = array<i32>} : memref<1024xf32, #tpu.memory_space<vmem>>, vector<16xf32>,
        %broadcast_in_dim3A_878 = arith.constant 0.000000e+00 : f32
        %broadcast_in_dim3A_879 = vector.broadcast %broadcast_in_dim3A_878 : f32 to vector<16xf32>
        %swap3A_880 = arith.constant 496 : index
        %swap3A_881 = tpu.vector_load %arg9[%swap3A_880] {strides = array<i32>} : memref<1024xf32, #tpu.memory_space<vmem>>, vector<16xf32>,
        %swap3A_882 = vector.shape_cast %swap3A_881 : vector<16xf32> to vector<16xf32>
        %swap3A_883 = vector.shape_cast %broadcast_in_dim3A_879 : vector<16xf32> to vector<16xf32>
        tpu.vector_store %arg9[%swap3A_880], %swap3A_883 {strides = array<i32>} : memref<1024xf32, #tpu.memory_space<vmem>>, vector<16xf32>,
        %broadcast_in_dim3A_884 = arith.constant 0.000000e+00 : f32
        %broadcast_in_dim3A_885 = vector.broadcast %broadcast_in_dim3A_884 : f32 to vector<16xf32>
        %swap3A_886 = arith.constant 512 : index
        %swap3A_887 = tpu.vector_load %arg9[%swap3A_886] {strides = array<i32>} : memref<1024xf32, #tpu.memory_space<vmem>>, vector<16xf32>,
        %swap3A_888 = vector.shape_cast %swap3A_887 : vector<16xf32> to vector<16xf32>
        %swap3A_889 = vector.shape_cast %broadcast_in_dim3A_885 : vector<16xf32> to vector<16xf32>
        tpu.vector_store %arg9[%swap3A_886], %swap3A_889 {strides = array<i32>} : memref<1024xf32, #tpu.memory_space<vmem>>, vector<16xf32>,
        %broadcast_in_dim3A_890 = arith.constant 0.000000e+00 : f32
        %broadcast_in_dim3A_891 = vector.broadcast %broadcast_in_dim3A_890 : f32 to vector<16xf32>
        %swap3A_892 = arith.constant 528 : index
        %swap3A_893 = tpu.vector_load %arg9[%swap3A_892] {strides = array<i32>} : memref<1024xf32, #tpu.memory_space<vmem>>, vector<16xf32>,
        %swap3A_894 = vector.shape_cast %swap3A_893 : vector<16xf32> to vector<16xf32>
        %swap3A_895 = vector.shape_cast %broadcast_in_dim3A_891 : vector<16xf32> to vector<16xf32>
        tpu.vector_store %arg9[%swap3A_892], %swap3A_895 {strides = array<i32>} : memref<1024xf32, #tpu.memory_space<vmem>>, vector<16xf32>,
        %broadcast_in_dim3A_896 = arith.constant 0.000000e+00 : f32
        %broadcast_in_dim3A_897 = vector.broadcast %broadcast_in_dim3A_896 : f32 to vector<16xf32>
        %swap3A_898 = arith.constant 544 : index
        %swap3A_899 = tpu.vector_load %arg9[%swap3A_898] {strides = array<i32>} : memref<1024xf32, #tpu.memory_space<vmem>>, vector<16xf32>,
        %swap3A_900 = vector.shape_cast %swap3A_899 : vector<16xf32> to vector<16xf32>
        %swap3A_901 = vector.shape_cast %broadcast_in_dim3A_897 : vector<16xf32> to vector<16xf32>
        tpu.vector_store %arg9[%swap3A_898], %swap3A_901 {strides = array<i32>} : memref<1024xf32, #tpu.memory_space<vmem>>, vector<16xf32>,
        %broadcast_in_dim3A_902 = arith.constant 0.000000e+00 : f32
        %broadcast_in_dim3A_903 = vector.broadcast %broadcast_in_dim3A_902 : f32 to vector<16xf32>
        %swap3A_904 = arith.constant 560 : index
        %swap3A_905 = tpu.vector_load %arg9[%swap3A_904] {strides = array<i32>} : memref<1024xf32, #tpu.memory_space<vmem>>, vector<16xf32>,
        %swap3A_906 = vector.shape_cast %swap3A_905 : vector<16xf32> to vector<16xf32>
        %swap3A_907 = vector.shape_cast %broadcast_in_dim3A_903 : vector<16xf32> to vector<16xf32>
        tpu.vector_store %arg9[%swap3A_904], %swap3A_907 {strides = array<i32>} : memref<1024xf32, #tpu.memory_space<vmem>>, vector<16xf32>,
        %broadcast_in_dim3A_908 = arith.constant 0.000000e+00 : f32
        %broadcast_in_dim3A_909 = vector.broadcast %broadcast_in_dim3A_908 : f32 to vector<16xf32>
        %swap3A_910 = arith.constant 576 : index
        %swap3A_911 = tpu.vector_load %arg9[%swap3A_910] {strides = array<i32>} : memref<1024xf32, #tpu.memory_space<vmem>>, vector<16xf32>,
        %swap3A_912 = vector.shape_cast %swap3A_911 : vector<16xf32> to vector<16xf32>
        %swap3A_913 = vector.shape_cast %broadcast_in_dim3A_909 : vector<16xf32> to vector<16xf32>
        tpu.vector_store %arg9[%swap3A_910], %swap3A_913 {strides = array<i32>} : memref<1024xf32, #tpu.memory_space<vmem>>, vector<16xf32>,
        %broadcast_in_dim3A_914 = arith.constant 0.000000e+00 : f32
        %broadcast_in_dim3A_915 = vector.broadcast %broadcast_in_dim3A_914 : f32 to vector<16xf32>
        %swap3A_916 = arith.constant 592 : index
        %swap3A_917 = tpu.vector_load %arg9[%swap3A_916] {strides = array<i32>} : memref<1024xf32, #tpu.memory_space<vmem>>, vector<16xf32>,
        %swap3A_918 = vector.shape_cast %swap3A_917 : vector<16xf32> to vector<16xf32>
        %swap3A_919 = vector.shape_cast %broadcast_in_dim3A_915 : vector<16xf32> to vector<16xf32>
        tpu.vector_store %arg9[%swap3A_916], %swap3A_919 {strides = array<i32>} : memref<1024xf32, #tpu.memory_space<vmem>>, vector<16xf32>,
        %broadcast_in_dim3A_920 = arith.constant 0.000000e+00 : f32
        %broadcast_in_dim3A_921 = vector.broadcast %broadcast_in_dim3A_920 : f32 to vector<16xf32>
        %swap3A_922 = arith.constant 608 : index
        %swap3A_923 = tpu.vector_load %arg9[%swap3A_922] {strides = array<i32>} : memref<1024xf32, #tpu.memory_space<vmem>>, vector<16xf32>,
        %swap3A_924 = vector.shape_cast %swap3A_923 : vector<16xf32> to vector<16xf32>
        %swap3A_925 = vector.shape_cast %broadcast_in_dim3A_921 : vector<16xf32> to vector<16xf32>
        tpu.vector_store %arg9[%swap3A_922], %swap3A_925 {strides = array<i32>} : memref<1024xf32, #tpu.memory_space<vmem>>, vector<16xf32>,
        %broadcast_in_dim3A_926 = arith.constant 0.000000e+00 : f32
        %broadcast_in_dim3A_927 = vector.broadcast %broadcast_in_dim3A_926 : f32 to vector<16xf32>
        %swap3A_928 = arith.constant 624 : index
        %swap3A_929 = tpu.vector_load %arg9[%swap3A_928] {strides = array<i32>} : memref<1024xf32, #tpu.memory_space<vmem>>, vector<16xf32>,
        %swap3A_930 = vector.shape_cast %swap3A_929 : vector<16xf32> to vector<16xf32>
        %swap3A_931 = vector.shape_cast %broadcast_in_dim3A_927 : vector<16xf32> to vector<16xf32>
        tpu.vector_store %arg9[%swap3A_928], %swap3A_931 {strides = array<i32>} : memref<1024xf32, #tpu.memory_space<vmem>>, vector<16xf32>,
        %broadcast_in_dim3A_932 = arith.constant 0.000000e+00 : f32
        %broadcast_in_dim3A_933 = vector.broadcast %broadcast_in_dim3A_932 : f32 to vector<16xf32>
        %swap3A_934 = arith.constant 640 : index
        %swap3A_935 = tpu.vector_load %arg9[%swap3A_934] {strides = array<i32>} : memref<1024xf32, #tpu.memory_space<vmem>>, vector<16xf32>,
        %swap3A_936 = vector.shape_cast %swap3A_935 : vector<16xf32> to vector<16xf32>
        %swap3A_937 = vector.shape_cast %broadcast_in_dim3A_933 : vector<16xf32> to vector<16xf32>
        tpu.vector_store %arg9[%swap3A_934], %swap3A_937 {strides = array<i32>} : memref<1024xf32, #tpu.memory_space<vmem>>, vector<16xf32>,
        %broadcast_in_dim3A_938 = arith.constant 0.000000e+00 : f32
        %broadcast_in_dim3A_939 = vector.broadcast %broadcast_in_dim3A_938 : f32 to vector<16xf32>
        %swap3A_940 = arith.constant 656 : index
        %swap3A_941 = tpu.vector_load %arg9[%swap3A_940] {strides = array<i32>} : memref<1024xf32, #tpu.memory_space<vmem>>, vector<16xf32>,
        %swap3A_942 = vector.shape_cast %swap3A_941 : vector<16xf32> to vector<16xf32>
        %swap3A_943 = vector.shape_cast %broadcast_in_dim3A_939 : vector<16xf32> to vector<16xf32>
        tpu.vector_store %arg9[%swap3A_940], %swap3A_943 {strides = array<i32>} : memref<1024xf32, #tpu.memory_space<vmem>>, vector<16xf32>,
        %broadcast_in_dim3A_944 = arith.constant 0.000000e+00 : f32
        %broadcast_in_dim3A_945 = vector.broadcast %broadcast_in_dim3A_944 : f32 to vector<16xf32>
        %swap3A_946 = arith.constant 672 : index
        %swap3A_947 = tpu.vector_load %arg9[%swap3A_946] {strides = array<i32>} : memref<1024xf32, #tpu.memory_space<vmem>>, vector<16xf32>,
        %swap3A_948 = vector.shape_cast %swap3A_947 : vector<16xf32> to vector<16xf32>
        %swap3A_949 = vector.shape_cast %broadcast_in_dim3A_945 : vector<16xf32> to vector<16xf32>
        tpu.vector_store %arg9[%swap3A_946], %swap3A_949 {strides = array<i32>} : memref<1024xf32, #tpu.memory_space<vmem>>, vector<16xf32>,
        %broadcast_in_dim3A_950 = arith.constant 0.000000e+00 : f32
        %broadcast_in_dim3A_951 = vector.broadcast %broadcast_in_dim3A_950 : f32 to vector<16xf32>
        %swap3A_952 = arith.constant 688 : index
        %swap3A_953 = tpu.vector_load %arg9[%swap3A_952] {strides = array<i32>} : memref<1024xf32, #tpu.memory_space<vmem>>, vector<16xf32>,
        %swap3A_954 = vector.shape_cast %swap3A_953 : vector<16xf32> to vector<16xf32>
        %swap3A_955 = vector.shape_cast %broadcast_in_dim3A_951 : vector<16xf32> to vector<16xf32>
        tpu.vector_store %arg9[%swap3A_952], %swap3A_955 {strides = array<i32>} : memref<1024xf32, #tpu.memory_space<vmem>>, vector<16xf32>,
        %broadcast_in_dim3A_956 = arith.constant 0.000000e+00 : f32
        %broadcast_in_dim3A_957 = vector.broadcast %broadcast_in_dim3A_956 : f32 to vector<16xf32>
        %swap3A_958 = arith.constant 704 : index
        %swap3A_959 = tpu.vector_load %arg9[%swap3A_958] {strides = array<i32>} : memref<1024xf32, #tpu.memory_space<vmem>>, vector<16xf32>,
        %swap3A_960 = vector.shape_cast %swap3A_959 : vector<16xf32> to vector<16xf32>
        %swap3A_961 = vector.shape_cast %broadcast_in_dim3A_957 : vector<16xf32> to vector<16xf32>
        tpu.vector_store %arg9[%swap3A_958], %swap3A_961 {strides = array<i32>} : memref<1024xf32, #tpu.memory_space<vmem>>, vector<16xf32>,
        %broadcast_in_dim3A_962 = arith.constant 0.000000e+00 : f32
        %broadcast_in_dim3A_963 = vector.broadcast %broadcast_in_dim3A_962 : f32 to vector<16xf32>
        %swap3A_964 = arith.constant 720 : index
        %swap3A_965 = tpu.vector_load %arg9[%swap3A_964] {strides = array<i32>} : memref<1024xf32, #tpu.memory_space<vmem>>, vector<16xf32>,
        %swap3A_966 = vector.shape_cast %swap3A_965 : vector<16xf32> to vector<16xf32>
        %swap3A_967 = vector.shape_cast %broadcast_in_dim3A_963 : vector<16xf32> to vector<16xf32>
        tpu.vector_store %arg9[%swap3A_964], %swap3A_967 {strides = array<i32>} : memref<1024xf32, #tpu.memory_space<vmem>>, vector<16xf32>,
        %broadcast_in_dim3A_968 = arith.constant 0.000000e+00 : f32
        %broadcast_in_dim3A_969 = vector.broadcast %broadcast_in_dim3A_968 : f32 to vector<16xf32>
        %swap3A_970 = arith.constant 736 : index
        %swap3A_971 = tpu.vector_load %arg9[%swap3A_970] {strides = array<i32>} : memref<1024xf32, #tpu.memory_space<vmem>>, vector<16xf32>,
        %swap3A_972 = vector.shape_cast %swap3A_971 : vector<16xf32> to vector<16xf32>
        %swap3A_973 = vector.shape_cast %broadcast_in_dim3A_969 : vector<16xf32> to vector<16xf32>
        tpu.vector_store %arg9[%swap3A_970], %swap3A_973 {strides = array<i32>} : memref<1024xf32, #tpu.memory_space<vmem>>, vector<16xf32>,
        %broadcast_in_dim3A_974 = arith.constant 0.000000e+00 : f32
        %broadcast_in_dim3A_975 = vector.broadcast %broadcast_in_dim3A_974 : f32 to vector<16xf32>
        %swap3A_976 = arith.constant 752 : index
        %swap3A_977 = tpu.vector_load %arg9[%swap3A_976] {strides = array<i32>} : memref<1024xf32, #tpu.memory_space<vmem>>, vector<16xf32>,
        %swap3A_978 = vector.shape_cast %swap3A_977 : vector<16xf32> to vector<16xf32>
        %swap3A_979 = vector.shape_cast %broadcast_in_dim3A_975 : vector<16xf32> to vector<16xf32>
        tpu.vector_store %arg9[%swap3A_976], %swap3A_979 {strides = array<i32>} : memref<1024xf32, #tpu.memory_space<vmem>>, vector<16xf32>,
        %broadcast_in_dim3A_980 = arith.constant 0.000000e+00 : f32
        %broadcast_in_dim3A_981 = vector.broadcast %broadcast_in_dim3A_980 : f32 to vector<16xf32>
        %swap3A_982 = arith.constant 768 : index
        %swap3A_983 = tpu.vector_load %arg9[%swap3A_982] {strides = array<i32>} : memref<1024xf32, #tpu.memory_space<vmem>>, vector<16xf32>,
        %swap3A_984 = vector.shape_cast %swap3A_983 : vector<16xf32> to vector<16xf32>
        %swap3A_985 = vector.shape_cast %broadcast_in_dim3A_981 : vector<16xf32> to vector<16xf32>
        tpu.vector_store %arg9[%swap3A_982], %swap3A_985 {strides = array<i32>} : memref<1024xf32, #tpu.memory_space<vmem>>, vector<16xf32>,
        %broadcast_in_dim3A_986 = arith.constant 0.000000e+00 : f32
        %broadcast_in_dim3A_987 = vector.broadcast %broadcast_in_dim3A_986 : f32 to vector<16xf32>
        %swap3A_988 = arith.constant 784 : index
        %swap3A_989 = tpu.vector_load %arg9[%swap3A_988] {strides = array<i32>} : memref<1024xf32, #tpu.memory_space<vmem>>, vector<16xf32>,
        %swap3A_990 = vector.shape_cast %swap3A_989 : vector<16xf32> to vector<16xf32>
        %swap3A_991 = vector.shape_cast %broadcast_in_dim3A_987 : vector<16xf32> to vector<16xf32>
        tpu.vector_store %arg9[%swap3A_988], %swap3A_991 {strides = array<i32>} : memref<1024xf32, #tpu.memory_space<vmem>>, vector<16xf32>,
        %broadcast_in_dim3A_992 = arith.constant 0.000000e+00 : f32
        %broadcast_in_dim3A_993 = vector.broadcast %broadcast_in_dim3A_992 : f32 to vector<16xf32>
        %swap3A_994 = arith.constant 800 : index
        %swap3A_995 = tpu.vector_load %arg9[%swap3A_994] {strides = array<i32>} : memref<1024xf32, #tpu.memory_space<vmem>>, vector<16xf32>,
        %swap3A_996 = vector.shape_cast %swap3A_995 : vector<16xf32> to vector<16xf32>
        %swap3A_997 = vector.shape_cast %broadcast_in_dim3A_993 : vector<16xf32> to vector<16xf32>
        tpu.vector_store %arg9[%swap3A_994], %swap3A_997 {strides = array<i32>} : memref<1024xf32, #tpu.memory_space<vmem>>, vector<16xf32>,
        %broadcast_in_dim3A_998 = arith.constant 0.000000e+00 : f32
        %broadcast_in_dim3A_999 = vector.broadcast %broadcast_in_dim3A_998 : f32 to vector<16xf32>
        %swap3A_1000 = arith.constant 816 : index
        %swap3A_1001 = tpu.vector_load %arg9[%swap3A_1000] {strides = array<i32>} : memref<1024xf32, #tpu.memory_space<vmem>>, vector<16xf32>,
        %swap3A_1002 = vector.shape_cast %swap3A_1001 : vector<16xf32> to vector<16xf32>
        %swap3A_1003 = vector.shape_cast %broadcast_in_dim3A_999 : vector<16xf32> to vector<16xf32>
        tpu.vector_store %arg9[%swap3A_1000], %swap3A_1003 {strides = array<i32>} : memref<1024xf32, #tpu.memory_space<vmem>>, vector<16xf32>,
        %broadcast_in_dim3A_1004 = arith.constant 0.000000e+00 : f32
        %broadcast_in_dim3A_1005 = vector.broadcast %broadcast_in_dim3A_1004 : f32 to vector<16xf32>
        %swap3A_1006 = arith.constant 832 : index
        %swap3A_1007 = tpu.vector_load %arg9[%swap3A_1006] {strides = array<i32>} : memref<1024xf32, #tpu.memory_space<vmem>>, vector<16xf32>,
        %swap3A_1008 = vector.shape_cast %swap3A_1007 : vector<16xf32> to vector<16xf32>
        %swap3A_1009 = vector.shape_cast %broadcast_in_dim3A_1005 : vector<16xf32> to vector<16xf32>
        tpu.vector_store %arg9[%swap3A_1006], %swap3A_1009 {strides = array<i32>} : memref<1024xf32, #tpu.memory_space<vmem>>, vector<16xf32>,
        %broadcast_in_dim3A_1010 = arith.constant 0.000000e+00 : f32
        %broadcast_in_dim3A_1011 = vector.broadcast %broadcast_in_dim3A_1010 : f32 to vector<16xf32>
        %swap3A_1012 = arith.constant 848 : index
        %swap3A_1013 = tpu.vector_load %arg9[%swap3A_1012] {strides = array<i32>} : memref<1024xf32, #tpu.memory_space<vmem>>, vector<16xf32>,
        %swap3A_1014 = vector.shape_cast %swap3A_1013 : vector<16xf32> to vector<16xf32>
        %swap3A_1015 = vector.shape_cast %broadcast_in_dim3A_1011 : vector<16xf32> to vector<16xf32>
        tpu.vector_store %arg9[%swap3A_1012], %swap3A_1015 {strides = array<i32>} : memref<1024xf32, #tpu.memory_space<vmem>>, vector<16xf32>,
        %broadcast_in_dim3A_1016 = arith.constant 0.000000e+00 : f32
        %broadcast_in_dim3A_1017 = vector.broadcast %broadcast_in_dim3A_1016 : f32 to vector<16xf32>
        %swap3A_1018 = arith.constant 864 : index
        %swap3A_1019 = tpu.vector_load %arg9[%swap3A_1018] {strides = array<i32>} : memref<1024xf32, #tpu.memory_space<vmem>>, vector<16xf32>,
        %swap3A_1020 = vector.shape_cast %swap3A_1019 : vector<16xf32> to vector<16xf32>
        %swap3A_1021 = vector.shape_cast %broadcast_in_dim3A_1017 : vector<16xf32> to vector<16xf32>
        tpu.vector_store %arg9[%swap3A_1018], %swap3A_1021 {strides = array<i32>} : memref<1024xf32, #tpu.memory_space<vmem>>, vector<16xf32>,
        %broadcast_in_dim3A_1022 = arith.constant 0.000000e+00 : f32
        %broadcast_in_dim3A_1023 = vector.broadcast %broadcast_in_dim3A_1022 : f32 to vector<16xf32>
        %swap3A_1024 = arith.constant 880 : index
        %swap3A_1025 = tpu.vector_load %arg9[%swap3A_1024] {strides = array<i32>} : memref<1024xf32, #tpu.memory_space<vmem>>, vector<16xf32>,
        %swap3A_1026 = vector.shape_cast %swap3A_1025 : vector<16xf32> to vector<16xf32>
        %swap3A_1027 = vector.shape_cast %broadcast_in_dim3A_1023 : vector<16xf32> to vector<16xf32>
        tpu.vector_store %arg9[%swap3A_1024], %swap3A_1027 {strides = array<i32>} : memref<1024xf32, #tpu.memory_space<vmem>>, vector<16xf32>,
        %broadcast_in_dim3A_1028 = arith.constant 0.000000e+00 : f32
        %broadcast_in_dim3A_1029 = vector.broadcast %broadcast_in_dim3A_1028 : f32 to vector<16xf32>
        %swap3A_1030 = arith.constant 896 : index
        %swap3A_1031 = tpu.vector_load %arg9[%swap3A_1030] {strides = array<i32>} : memref<1024xf32, #tpu.memory_space<vmem>>, vector<16xf32>,
        %swap3A_1032 = vector.shape_cast %swap3A_1031 : vector<16xf32> to vector<16xf32>
        %swap3A_1033 = vector.shape_cast %broadcast_in_dim3A_1029 : vector<16xf32> to vector<16xf32>
        tpu.vector_store %arg9[%swap3A_1030], %swap3A_1033 {strides = array<i32>} : memref<1024xf32, #tpu.memory_space<vmem>>, vector<16xf32>,
        %broadcast_in_dim3A_1034 = arith.constant 0.000000e+00 : f32
        %broadcast_in_dim3A_1035 = vector.broadcast %broadcast_in_dim3A_1034 : f32 to vector<16xf32>
        %swap3A_1036 = arith.constant 912 : index
        %swap3A_1037 = tpu.vector_load %arg9[%swap3A_1036] {strides = array<i32>} : memref<1024xf32, #tpu.memory_space<vmem>>, vector<16xf32>,
        %swap3A_1038 = vector.shape_cast %swap3A_1037 : vector<16xf32> to vector<16xf32>
        %swap3A_1039 = vector.shape_cast %broadcast_in_dim3A_1035 : vector<16xf32> to vector<16xf32>
        tpu.vector_store %arg9[%swap3A_1036], %swap3A_1039 {strides = array<i32>} : memref<1024xf32, #tpu.memory_space<vmem>>, vector<16xf32>,
        %broadcast_in_dim3A_1040 = arith.constant 0.000000e+00 : f32
        %broadcast_in_dim3A_1041 = vector.broadcast %broadcast_in_dim3A_1040 : f32 to vector<16xf32>
        %swap3A_1042 = arith.constant 928 : index
        %swap3A_1043 = tpu.vector_load %arg9[%swap3A_1042] {strides = array<i32>} : memref<1024xf32, #tpu.memory_space<vmem>>, vector<16xf32>,
        %swap3A_1044 = vector.shape_cast %swap3A_1043 : vector<16xf32> to vector<16xf32>
        %swap3A_1045 = vector.shape_cast %broadcast_in_dim3A_1041 : vector<16xf32> to vector<16xf32>
        tpu.vector_store %arg9[%swap3A_1042], %swap3A_1045 {strides = array<i32>} : memref<1024xf32, #tpu.memory_space<vmem>>, vector<16xf32>,
        %broadcast_in_dim3A_1046 = arith.constant 0.000000e+00 : f32
        %broadcast_in_dim3A_1047 = vector.broadcast %broadcast_in_dim3A_1046 : f32 to vector<16xf32>
        %swap3A_1048 = arith.constant 944 : index
        %swap3A_1049 = tpu.vector_load %arg9[%swap3A_1048] {strides = array<i32>} : memref<1024xf32, #tpu.memory_space<vmem>>, vector<16xf32>,
        %swap3A_1050 = vector.shape_cast %swap3A_1049 : vector<16xf32> to vector<16xf32>
        %swap3A_1051 = vector.shape_cast %broadcast_in_dim3A_1047 : vector<16xf32> to vector<16xf32>
        tpu.vector_store %arg9[%swap3A_1048], %swap3A_1051 {strides = array<i32>} : memref<1024xf32, #tpu.memory_space<vmem>>, vector<16xf32>,
        %broadcast_in_dim3A_1052 = arith.constant 0.000000e+00 : f32
        %broadcast_in_dim3A_1053 = vector.broadcast %broadcast_in_dim3A_1052 : f32 to vector<16xf32>
        %swap3A_1054 = arith.constant 960 : index
        %swap3A_1055 = tpu.vector_load %arg9[%swap3A_1054] {strides = array<i32>} : memref<1024xf32, #tpu.memory_space<vmem>>, vector<16xf32>,
        %swap3A_1056 = vector.shape_cast %swap3A_1055 : vector<16xf32> to vector<16xf32>
        %swap3A_1057 = vector.shape_cast %broadcast_in_dim3A_1053 : vector<16xf32> to vector<16xf32>
        tpu.vector_store %arg9[%swap3A_1054], %swap3A_1057 {strides = array<i32>} : memref<1024xf32, #tpu.memory_space<vmem>>, vector<16xf32>,
        %broadcast_in_dim3A_1058 = arith.constant 0.000000e+00 : f32
        %broadcast_in_dim3A_1059 = vector.broadcast %broadcast_in_dim3A_1058 : f32 to vector<16xf32>
        %swap3A_1060 = arith.constant 976 : index
        %swap3A_1061 = tpu.vector_load %arg9[%swap3A_1060] {strides = array<i32>} : memref<1024xf32, #tpu.memory_space<vmem>>, vector<16xf32>,
        %swap3A_1062 = vector.shape_cast %swap3A_1061 : vector<16xf32> to vector<16xf32>
        %swap3A_1063 = vector.shape_cast %broadcast_in_dim3A_1059 : vector<16xf32> to vector<16xf32>
        tpu.vector_store %arg9[%swap3A_1060], %swap3A_1063 {strides = array<i32>} : memref<1024xf32, #tpu.memory_space<vmem>>, vector<16xf32>,
        %broadcast_in_dim3A_1064 = arith.constant 0.000000e+00 : f32
        %broadcast_in_dim3A_1065 = vector.broadcast %broadcast_in_dim3A_1064 : f32 to vector<16xf32>
        %swap3A_1066 = arith.constant 992 : index
        %swap3A_1067 = tpu.vector_load %arg9[%swap3A_1066] {strides = array<i32>} : memref<1024xf32, #tpu.memory_space<vmem>>, vector<16xf32>,
        %swap3A_1068 = vector.shape_cast %swap3A_1067 : vector<16xf32> to vector<16xf32>
        %swap3A_1069 = vector.shape_cast %broadcast_in_dim3A_1065 : vector<16xf32> to vector<16xf32>
        tpu.vector_store %arg9[%swap3A_1066], %swap3A_1069 {strides = array<i32>} : memref<1024xf32, #tpu.memory_space<vmem>>, vector<16xf32>,
        %broadcast_in_dim3A_1070 = arith.constant 0.000000e+00 : f32
        %broadcast_in_dim3A_1071 = vector.broadcast %broadcast_in_dim3A_1070 : f32 to vector<16xf32>
        %swap3A_1072 = arith.constant 1008 : index
        %swap3A_1073 = tpu.vector_load %arg9[%swap3A_1072] {strides = array<i32>} : memref<1024xf32, #tpu.memory_space<vmem>>, vector<16xf32>,
        %swap3A_1074 = vector.shape_cast %swap3A_1073 : vector<16xf32> to vector<16xf32>
        %swap3A_1075 = vector.shape_cast %broadcast_in_dim3A_1071 : vector<16xf32> to vector<16xf32>
        tpu.vector_store %arg9[%swap3A_1072], %swap3A_1075 {strides = array<i32>} : memref<1024xf32, #tpu.memory_space<vmem>>, vector<16xf32>,
        "tpu.region"() ({
          %run_scoped3A_1076 = tpu.sem_alloc : memref<!tpu.dma_semaphore, #tpu.memory_space<semaphore_mem>>
          tpu.enqueue_dma source(%arg9 : memref<1024xf32, #tpu.memory_space<vmem>>) target(%arg10 : memref<1024xf32, #tpu.memory_space<vmem_shared>>) target_semaphore(%run_scoped3A_1076 : memref<!tpu.dma_semaphore, #tpu.memory_space<semaphore_mem>>)
          tpu.wait_dma2 semaphore(%run_scoped3A_1076 : memref<!tpu.dma_semaphore, #tpu.memory_space<semaphore_mem>>) src(%arg9 : memref<1024xf32, #tpu.memory_space<vmem>>) dst(%arg10 : memref<1024xf32, #tpu.memory_space<vmem_shared>>)
          tpu.yield
        }) : () -> ()
      } else {
      }
      %barrier3A = arith.constant 0 : index
      tpu.barrier barrier_id(%barrier3A)
      %dma_start3A = arith.constant 0 : i32
      %dma_start3A_7 = arith.constant 0 : i32
      %dma_start3A_8 = arith.constant 0 : i32
      %dma_start3A_9 = tpu.memref_slice %arg7[%dma_start3A, %dma_start3A_8] : memref<32x128xf32, #tpu.memory_space<vmem>> -> memref<1x128xf32, #tpu.memory_space<vmem>>
      %dma_start3A_10 = tpu.memref_squeeze %dma_start3A_9 : memref<1x128xf32, #tpu.memory_space<vmem>> -> memref<128xf32, #tpu.memory_space<vmem>>
      %dma_start3A_11 = arith.constant 0 : i32
      %dma_start3A_12 = tpu.memref_slice %arg8[%dma_start3A_7, %dma_start3A_11] : memref<32x128xi32, #tpu.memory_space<vmem>> -> memref<1x128xi32, #tpu.memory_space<vmem>>
      %dma_start3A_13 = tpu.memref_squeeze %dma_start3A_12 : memref<1x128xi32, #tpu.memory_space<vmem>> -> memref<128xi32, #tpu.memory_space<vmem>>
      %dma_start3A_14 = arith.constant 0 : i32
      %dma_start3A_15 = tpu.memref_slice %arg10[%dma_start3A_14] : memref<1024xf32, #tpu.memory_space<vmem_shared>> -> memref<1024xf32, #tpu.memory_space<vmem_shared>>
      tpu.enqueue_indirect_dma source(%dma_start3A_10 : memref<128xf32, #tpu.memory_space<vmem>>) target(%dma_start3A_15 : memref<1024xf32, #tpu.memory_space<vmem_shared>>) offsets(%dma_start3A_13 : memref<128xi32, #tpu.memory_space<vmem>>) semaphore(%arg13 : memref<!tpu.dma_semaphore, #tpu.memory_space<semaphore_mem>>) {add = true}
      %dma_start3A_16 = arith.constant 1 : i32
      %dma_start3A_17 = arith.constant 1 : i32
      %dma_start3A_18 = arith.constant 0 : i32
      %dma_start3A_19 = tpu.memref_slice %arg7[%dma_start3A_16, %dma_start3A_18] : memref<32x128xf32, #tpu.memory_space<vmem>> -> memref<1x128xf32, #tpu.memory_space<vmem>>
      %dma_start3A_20 = tpu.memref_squeeze %dma_start3A_19 : memref<1x128xf32, #tpu.memory_space<vmem>> -> memref<128xf32, #tpu.memory_space<vmem>>
      %dma_start3A_21 = arith.constant 0 : i32
      %dma_start3A_22 = tpu.memref_slice %arg8[%dma_start3A_17, %dma_start3A_21] : memref<32x128xi32, #tpu.memory_space<vmem>> -> memref<1x128xi32, #tpu.memory_space<vmem>>
      %dma_start3A_23 = tpu.memref_squeeze %dma_start3A_22 : memref<1x128xi32, #tpu.memory_space<vmem>> -> memref<128xi32, #tpu.memory_space<vmem>>
      %dma_start3A_24 = arith.constant 0 : i32
      %dma_start3A_25 = tpu.memref_slice %arg10[%dma_start3A_24] : memref<1024xf32, #tpu.memory_space<vmem_shared>> -> memref<1024xf32, #tpu.memory_space<vmem_shared>>
      tpu.enqueue_indirect_dma source(%dma_start3A_20 : memref<128xf32, #tpu.memory_space<vmem>>) target(%dma_start3A_25 : memref<1024xf32, #tpu.memory_space<vmem_shared>>) offsets(%dma_start3A_23 : memref<128xi32, #tpu.memory_space<vmem>>) semaphore(%arg13 : memref<!tpu.dma_semaphore, #tpu.memory_space<semaphore_mem>>) {add = true}
      %dma_start3A_26 = arith.constant 2 : i32
      %dma_start3A_27 = arith.constant 2 : i32
      %dma_start3A_28 = arith.constant 0 : i32
      %dma_start3A_29 = tpu.memref_slice %arg7[%dma_start3A_26, %dma_start3A_28] : memref<32x128xf32, #tpu.memory_space<vmem>> -> memref<1x128xf32, #tpu.memory_space<vmem>>
      %dma_start3A_30 = tpu.memref_squeeze %dma_start3A_29 : memref<1x128xf32, #tpu.memory_space<vmem>> -> memref<128xf32, #tpu.memory_space<vmem>>
      %dma_start3A_31 = arith.constant 0 : i32
      %dma_start3A_32 = tpu.memref_slice %arg8[%dma_start3A_27, %dma_start3A_31] : memref<32x128xi32, #tpu.memory_space<vmem>> -> memref<1x128xi32, #tpu.memory_space<vmem>>
      %dma_start3A_33 = tpu.memref_squeeze %dma_start3A_32 : memref<1x128xi32, #tpu.memory_space<vmem>> -> memref<128xi32, #tpu.memory_space<vmem>>
      %dma_start3A_34 = arith.constant 0 : i32
      %dma_start3A_35 = tpu.memref_slice %arg10[%dma_start3A_34] : memref<1024xf32, #tpu.memory_space<vmem_shared>> -> memref<1024xf32, #tpu.memory_space<vmem_shared>>
      tpu.enqueue_indirect_dma source(%dma_start3A_30 : memref<128xf32, #tpu.memory_space<vmem>>) target(%dma_start3A_35 : memref<1024xf32, #tpu.memory_space<vmem_shared>>) offsets(%dma_start3A_33 : memref<128xi32, #tpu.memory_space<vmem>>) semaphore(%arg13 : memref<!tpu.dma_semaphore, #tpu.memory_space<semaphore_mem>>) {add = true}
      %dma_start3A_36 = arith.constant 3 : i32
      %dma_start3A_37 = arith.constant 3 : i32
      %dma_start3A_38 = arith.constant 0 : i32
      %dma_start3A_39 = tpu.memref_slice %arg7[%dma_start3A_36, %dma_start3A_38] : memref<32x128xf32, #tpu.memory_space<vmem>> -> memref<1x128xf32, #tpu.memory_space<vmem>>
      %dma_start3A_40 = tpu.memref_squeeze %dma_start3A_39 : memref<1x128xf32, #tpu.memory_space<vmem>> -> memref<128xf32, #tpu.memory_space<vmem>>
      %dma_start3A_41 = arith.constant 0 : i32
      %dma_start3A_42 = tpu.memref_slice %arg8[%dma_start3A_37, %dma_start3A_41] : memref<32x128xi32, #tpu.memory_space<vmem>> -> memref<1x128xi32, #tpu.memory_space<vmem>>
      %dma_start3A_43 = tpu.memref_squeeze %dma_start3A_42 : memref<1x128xi32, #tpu.memory_space<vmem>> -> memref<128xi32, #tpu.memory_space<vmem>>
      %dma_start3A_44 = arith.constant 0 : i32
      %dma_start3A_45 = tpu.memref_slice %arg10[%dma_start3A_44] : memref<1024xf32, #tpu.memory_space<vmem_shared>> -> memref<1024xf32, #tpu.memory_space<vmem_shared>>
      tpu.enqueue_indirect_dma source(%dma_start3A_40 : memref<128xf32, #tpu.memory_space<vmem>>) target(%dma_start3A_45 : memref<1024xf32, #tpu.memory_space<vmem_shared>>) offsets(%dma_start3A_43 : memref<128xi32, #tpu.memory_space<vmem>>) semaphore(%arg13 : memref<!tpu.dma_semaphore, #tpu.memory_space<semaphore_mem>>) {add = true}
      %dma_start3A_46 = arith.constant 4 : i32
      %dma_start3A_47 = arith.constant 4 : i32
      %dma_start3A_48 = arith.constant 0 : i32
      %dma_start3A_49 = tpu.memref_slice %arg7[%dma_start3A_46, %dma_start3A_48] : memref<32x128xf32, #tpu.memory_space<vmem>> -> memref<1x128xf32, #tpu.memory_space<vmem>>
      %dma_start3A_50 = tpu.memref_squeeze %dma_start3A_49 : memref<1x128xf32, #tpu.memory_space<vmem>> -> memref<128xf32, #tpu.memory_space<vmem>>
      %dma_start3A_51 = arith.constant 0 : i32
      %dma_start3A_52 = tpu.memref_slice %arg8[%dma_start3A_47, %dma_start3A_51] : memref<32x128xi32, #tpu.memory_space<vmem>> -> memref<1x128xi32, #tpu.memory_space<vmem>>
      %dma_start3A_53 = tpu.memref_squeeze %dma_start3A_52 : memref<1x128xi32, #tpu.memory_space<vmem>> -> memref<128xi32, #tpu.memory_space<vmem>>
      %dma_start3A_54 = arith.constant 0 : i32
      %dma_start3A_55 = tpu.memref_slice %arg10[%dma_start3A_54] : memref<1024xf32, #tpu.memory_space<vmem_shared>> -> memref<1024xf32, #tpu.memory_space<vmem_shared>>
      tpu.enqueue_indirect_dma source(%dma_start3A_50 : memref<128xf32, #tpu.memory_space<vmem>>) target(%dma_start3A_55 : memref<1024xf32, #tpu.memory_space<vmem_shared>>) offsets(%dma_start3A_53 : memref<128xi32, #tpu.memory_space<vmem>>) semaphore(%arg13 : memref<!tpu.dma_semaphore, #tpu.memory_space<semaphore_mem>>) {add = true}
      %dma_start3A_56 = arith.constant 5 : i32
      %dma_start3A_57 = arith.constant 5 : i32
      %dma_start3A_58 = arith.constant 0 : i32
      %dma_start3A_59 = tpu.memref_slice %arg7[%dma_start3A_56, %dma_start3A_58] : memref<32x128xf32, #tpu.memory_space<vmem>> -> memref<1x128xf32, #tpu.memory_space<vmem>>
      %dma_start3A_60 = tpu.memref_squeeze %dma_start3A_59 : memref<1x128xf32, #tpu.memory_space<vmem>> -> memref<128xf32, #tpu.memory_space<vmem>>
      %dma_start3A_61 = arith.constant 0 : i32
      %dma_start3A_62 = tpu.memref_slice %arg8[%dma_start3A_57, %dma_start3A_61] : memref<32x128xi32, #tpu.memory_space<vmem>> -> memref<1x128xi32, #tpu.memory_space<vmem>>
      %dma_start3A_63 = tpu.memref_squeeze %dma_start3A_62 : memref<1x128xi32, #tpu.memory_space<vmem>> -> memref<128xi32, #tpu.memory_space<vmem>>
      %dma_start3A_64 = arith.constant 0 : i32
      %dma_start3A_65 = tpu.memref_slice %arg10[%dma_start3A_64] : memref<1024xf32, #tpu.memory_space<vmem_shared>> -> memref<1024xf32, #tpu.memory_space<vmem_shared>>
      tpu.enqueue_indirect_dma source(%dma_start3A_60 : memref<128xf32, #tpu.memory_space<vmem>>) target(%dma_start3A_65 : memref<1024xf32, #tpu.memory_space<vmem_shared>>) offsets(%dma_start3A_63 : memref<128xi32, #tpu.memory_space<vmem>>) semaphore(%arg13 : memref<!tpu.dma_semaphore, #tpu.memory_space<semaphore_mem>>) {add = true}
      %dma_start3A_66 = arith.constant 6 : i32
      %dma_start3A_67 = arith.constant 6 : i32
      %dma_start3A_68 = arith.constant 0 : i32
      %dma_start3A_69 = tpu.memref_slice %arg7[%dma_start3A_66, %dma_start3A_68] : memref<32x128xf32, #tpu.memory_space<vmem>> -> memref<1x128xf32, #tpu.memory_space<vmem>>
      %dma_start3A_70 = tpu.memref_squeeze %dma_start3A_69 : memref<1x128xf32, #tpu.memory_space<vmem>> -> memref<128xf32, #tpu.memory_space<vmem>>
      %dma_start3A_71 = arith.constant 0 : i32
      %dma_start3A_72 = tpu.memref_slice %arg8[%dma_start3A_67, %dma_start3A_71] : memref<32x128xi32, #tpu.memory_space<vmem>> -> memref<1x128xi32, #tpu.memory_space<vmem>>
      %dma_start3A_73 = tpu.memref_squeeze %dma_start3A_72 : memref<1x128xi32, #tpu.memory_space<vmem>> -> memref<128xi32, #tpu.memory_space<vmem>>
      %dma_start3A_74 = arith.constant 0 : i32
      %dma_start3A_75 = tpu.memref_slice %arg10[%dma_start3A_74] : memref<1024xf32, #tpu.memory_space<vmem_shared>> -> memref<1024xf32, #tpu.memory_space<vmem_shared>>
      tpu.enqueue_indirect_dma source(%dma_start3A_70 : memref<128xf32, #tpu.memory_space<vmem>>) target(%dma_start3A_75 : memref<1024xf32, #tpu.memory_space<vmem_shared>>) offsets(%dma_start3A_73 : memref<128xi32, #tpu.memory_space<vmem>>) semaphore(%arg13 : memref<!tpu.dma_semaphore, #tpu.memory_space<semaphore_mem>>) {add = true}
      %dma_start3A_76 = arith.constant 7 : i32
      %dma_start3A_77 = arith.constant 7 : i32
      %dma_start3A_78 = arith.constant 0 : i32
      %dma_start3A_79 = tpu.memref_slice %arg7[%dma_start3A_76, %dma_start3A_78] : memref<32x128xf32, #tpu.memory_space<vmem>> -> memref<1x128xf32, #tpu.memory_space<vmem>>
      %dma_start3A_80 = tpu.memref_squeeze %dma_start3A_79 : memref<1x128xf32, #tpu.memory_space<vmem>> -> memref<128xf32, #tpu.memory_space<vmem>>
      %dma_start3A_81 = arith.constant 0 : i32
      %dma_start3A_82 = tpu.memref_slice %arg8[%dma_start3A_77, %dma_start3A_81] : memref<32x128xi32, #tpu.memory_space<vmem>> -> memref<1x128xi32, #tpu.memory_space<vmem>>
      %dma_start3A_83 = tpu.memref_squeeze %dma_start3A_82 : memref<1x128xi32, #tpu.memory_space<vmem>> -> memref<128xi32, #tpu.memory_space<vmem>>
      %dma_start3A_84 = arith.constant 0 : i32
      %dma_start3A_85 = tpu.memref_slice %arg10[%dma_start3A_84] : memref<1024xf32, #tpu.memory_space<vmem_shared>> -> memref<1024xf32, #tpu.memory_space<vmem_shared>>
      tpu.enqueue_indirect_dma source(%dma_start3A_80 : memref<128xf32, #tpu.memory_space<vmem>>) target(%dma_start3A_85 : memref<1024xf32, #tpu.memory_space<vmem_shared>>) offsets(%dma_start3A_83 : memref<128xi32, #tpu.memory_space<vmem>>) semaphore(%arg13 : memref<!tpu.dma_semaphore, #tpu.memory_space<semaphore_mem>>) {add = true}
      %dma_start3A_86 = arith.constant 8 : i32
      %dma_start3A_87 = arith.constant 8 : i32
      %dma_start3A_88 = arith.constant 0 : i32
      %dma_start3A_89 = tpu.memref_slice %arg7[%dma_start3A_86, %dma_start3A_88] : memref<32x128xf32, #tpu.memory_space<vmem>> -> memref<1x128xf32, #tpu.memory_space<vmem>>
      %dma_start3A_90 = tpu.memref_squeeze %dma_start3A_89 : memref<1x128xf32, #tpu.memory_space<vmem>> -> memref<128xf32, #tpu.memory_space<vmem>>
      %dma_start3A_91 = arith.constant 0 : i32
      %dma_start3A_92 = tpu.memref_slice %arg8[%dma_start3A_87, %dma_start3A_91] : memref<32x128xi32, #tpu.memory_space<vmem>> -> memref<1x128xi32, #tpu.memory_space<vmem>>
      %dma_start3A_93 = tpu.memref_squeeze %dma_start3A_92 : memref<1x128xi32, #tpu.memory_space<vmem>> -> memref<128xi32, #tpu.memory_space<vmem>>
      %dma_start3A_94 = arith.constant 0 : i32
      %dma_start3A_95 = tpu.memref_slice %arg10[%dma_start3A_94] : memref<1024xf32, #tpu.memory_space<vmem_shared>> -> memref<1024xf32, #tpu.memory_space<vmem_shared>>
      tpu.enqueue_indirect_dma source(%dma_start3A_90 : memref<128xf32, #tpu.memory_space<vmem>>) target(%dma_start3A_95 : memref<1024xf32, #tpu.memory_space<vmem_shared>>) offsets(%dma_start3A_93 : memref<128xi32, #tpu.memory_space<vmem>>) semaphore(%arg13 : memref<!tpu.dma_semaphore, #tpu.memory_space<semaphore_mem>>) {add = true}
      %dma_start3A_96 = arith.constant 9 : i32
      %dma_start3A_97 = arith.constant 9 : i32
      %dma_start3A_98 = arith.constant 0 : i32
      %dma_start3A_99 = tpu.memref_slice %arg7[%dma_start3A_96, %dma_start3A_98] : memref<32x128xf32, #tpu.memory_space<vmem>> -> memref<1x128xf32, #tpu.memory_space<vmem>>
      %dma_start3A_100 = tpu.memref_squeeze %dma_start3A_99 : memref<1x128xf32, #tpu.memory_space<vmem>> -> memref<128xf32, #tpu.memory_space<vmem>>
      %dma_start3A_101 = arith.constant 0 : i32
      %dma_start3A_102 = tpu.memref_slice %arg8[%dma_start3A_97, %dma_start3A_101] : memref<32x128xi32, #tpu.memory_space<vmem>> -> memref<1x128xi32, #tpu.memory_space<vmem>>
      %dma_start3A_103 = tpu.memref_squeeze %dma_start3A_102 : memref<1x128xi32, #tpu.memory_space<vmem>> -> memref<128xi32, #tpu.memory_space<vmem>>
      %dma_start3A_104 = arith.constant 0 : i32
      %dma_start3A_105 = tpu.memref_slice %arg10[%dma_start3A_104] : memref<1024xf32, #tpu.memory_space<vmem_shared>> -> memref<1024xf32, #tpu.memory_space<vmem_shared>>
      tpu.enqueue_indirect_dma source(%dma_start3A_100 : memref<128xf32, #tpu.memory_space<vmem>>) target(%dma_start3A_105 : memref<1024xf32, #tpu.memory_space<vmem_shared>>) offsets(%dma_start3A_103 : memref<128xi32, #tpu.memory_space<vmem>>) semaphore(%arg13 : memref<!tpu.dma_semaphore, #tpu.memory_space<semaphore_mem>>) {add = true}
      %dma_start3A_106 = arith.constant 10 : i32
      %dma_start3A_107 = arith.constant 10 : i32
      %dma_start3A_108 = arith.constant 0 : i32
      %dma_start3A_109 = tpu.memref_slice %arg7[%dma_start3A_106, %dma_start3A_108] : memref<32x128xf32, #tpu.memory_space<vmem>> -> memref<1x128xf32, #tpu.memory_space<vmem>>
      %dma_start3A_110 = tpu.memref_squeeze %dma_start3A_109 : memref<1x128xf32, #tpu.memory_space<vmem>> -> memref<128xf32, #tpu.memory_space<vmem>>
      %dma_start3A_111 = arith.constant 0 : i32
      %dma_start3A_112 = tpu.memref_slice %arg8[%dma_start3A_107, %dma_start3A_111] : memref<32x128xi32, #tpu.memory_space<vmem>> -> memref<1x128xi32, #tpu.memory_space<vmem>>
      %dma_start3A_113 = tpu.memref_squeeze %dma_start3A_112 : memref<1x128xi32, #tpu.memory_space<vmem>> -> memref<128xi32, #tpu.memory_space<vmem>>
      %dma_start3A_114 = arith.constant 0 : i32
      %dma_start3A_115 = tpu.memref_slice %arg10[%dma_start3A_114] : memref<1024xf32, #tpu.memory_space<vmem_shared>> -> memref<1024xf32, #tpu.memory_space<vmem_shared>>
      tpu.enqueue_indirect_dma source(%dma_start3A_110 : memref<128xf32, #tpu.memory_space<vmem>>) target(%dma_start3A_115 : memref<1024xf32, #tpu.memory_space<vmem_shared>>) offsets(%dma_start3A_113 : memref<128xi32, #tpu.memory_space<vmem>>) semaphore(%arg13 : memref<!tpu.dma_semaphore, #tpu.memory_space<semaphore_mem>>) {add = true}
      %dma_start3A_116 = arith.constant 11 : i32
      %dma_start3A_117 = arith.constant 11 : i32
      %dma_start3A_118 = arith.constant 0 : i32
      %dma_start3A_119 = tpu.memref_slice %arg7[%dma_start3A_116, %dma_start3A_118] : memref<32x128xf32, #tpu.memory_space<vmem>> -> memref<1x128xf32, #tpu.memory_space<vmem>>
      %dma_start3A_120 = tpu.memref_squeeze %dma_start3A_119 : memref<1x128xf32, #tpu.memory_space<vmem>> -> memref<128xf32, #tpu.memory_space<vmem>>
      %dma_start3A_121 = arith.constant 0 : i32
      %dma_start3A_122 = tpu.memref_slice %arg8[%dma_start3A_117, %dma_start3A_121] : memref<32x128xi32, #tpu.memory_space<vmem>> -> memref<1x128xi32, #tpu.memory_space<vmem>>
      %dma_start3A_123 = tpu.memref_squeeze %dma_start3A_122 : memref<1x128xi32, #tpu.memory_space<vmem>> -> memref<128xi32, #tpu.memory_space<vmem>>
      %dma_start3A_124 = arith.constant 0 : i32
      %dma_start3A_125 = tpu.memref_slice %arg10[%dma_start3A_124] : memref<1024xf32, #tpu.memory_space<vmem_shared>> -> memref<1024xf32, #tpu.memory_space<vmem_shared>>
      tpu.enqueue_indirect_dma source(%dma_start3A_120 : memref<128xf32, #tpu.memory_space<vmem>>) target(%dma_start3A_125 : memref<1024xf32, #tpu.memory_space<vmem_shared>>) offsets(%dma_start3A_123 : memref<128xi32, #tpu.memory_space<vmem>>) semaphore(%arg13 : memref<!tpu.dma_semaphore, #tpu.memory_space<semaphore_mem>>) {add = true}
      %dma_start3A_126 = arith.constant 12 : i32
      %dma_start3A_127 = arith.constant 12 : i32
      %dma_start3A_128 = arith.constant 0 : i32
      %dma_start3A_129 = tpu.memref_slice %arg7[%dma_start3A_126, %dma_start3A_128] : memref<32x128xf32, #tpu.memory_space<vmem>> -> memref<1x128xf32, #tpu.memory_space<vmem>>
      %dma_start3A_130 = tpu.memref_squeeze %dma_start3A_129 : memref<1x128xf32, #tpu.memory_space<vmem>> -> memref<128xf32, #tpu.memory_space<vmem>>
      %dma_start3A_131 = arith.constant 0 : i32
      %dma_start3A_132 = tpu.memref_slice %arg8[%dma_start3A_127, %dma_start3A_131] : memref<32x128xi32, #tpu.memory_space<vmem>> -> memref<1x128xi32, #tpu.memory_space<vmem>>
      %dma_start3A_133 = tpu.memref_squeeze %dma_start3A_132 : memref<1x128xi32, #tpu.memory_space<vmem>> -> memref<128xi32, #tpu.memory_space<vmem>>
      %dma_start3A_134 = arith.constant 0 : i32
      %dma_start3A_135 = tpu.memref_slice %arg10[%dma_start3A_134] : memref<1024xf32, #tpu.memory_space<vmem_shared>> -> memref<1024xf32, #tpu.memory_space<vmem_shared>>
      tpu.enqueue_indirect_dma source(%dma_start3A_130 : memref<128xf32, #tpu.memory_space<vmem>>) target(%dma_start3A_135 : memref<1024xf32, #tpu.memory_space<vmem_shared>>) offsets(%dma_start3A_133 : memref<128xi32, #tpu.memory_space<vmem>>) semaphore(%arg13 : memref<!tpu.dma_semaphore, #tpu.memory_space<semaphore_mem>>) {add = true}
      %dma_start3A_136 = arith.constant 13 : i32
      %dma_start3A_137 = arith.constant 13 : i32
      %dma_start3A_138 = arith.constant 0 : i32
      %dma_start3A_139 = tpu.memref_slice %arg7[%dma_start3A_136, %dma_start3A_138] : memref<32x128xf32, #tpu.memory_space<vmem>> -> memref<1x128xf32, #tpu.memory_space<vmem>>
      %dma_start3A_140 = tpu.memref_squeeze %dma_start3A_139 : memref<1x128xf32, #tpu.memory_space<vmem>> -> memref<128xf32, #tpu.memory_space<vmem>>
      %dma_start3A_141 = arith.constant 0 : i32
      %dma_start3A_142 = tpu.memref_slice %arg8[%dma_start3A_137, %dma_start3A_141] : memref<32x128xi32, #tpu.memory_space<vmem>> -> memref<1x128xi32, #tpu.memory_space<vmem>>
      %dma_start3A_143 = tpu.memref_squeeze %dma_start3A_142 : memref<1x128xi32, #tpu.memory_space<vmem>> -> memref<128xi32, #tpu.memory_space<vmem>>
      %dma_start3A_144 = arith.constant 0 : i32
      %dma_start3A_145 = tpu.memref_slice %arg10[%dma_start3A_144] : memref<1024xf32, #tpu.memory_space<vmem_shared>> -> memref<1024xf32, #tpu.memory_space<vmem_shared>>
      tpu.enqueue_indirect_dma source(%dma_start3A_140 : memref<128xf32, #tpu.memory_space<vmem>>) target(%dma_start3A_145 : memref<1024xf32, #tpu.memory_space<vmem_shared>>) offsets(%dma_start3A_143 : memref<128xi32, #tpu.memory_space<vmem>>) semaphore(%arg13 : memref<!tpu.dma_semaphore, #tpu.memory_space<semaphore_mem>>) {add = true}
      %dma_start3A_146 = arith.constant 14 : i32
      %dma_start3A_147 = arith.constant 14 : i32
      %dma_start3A_148 = arith.constant 0 : i32
      %dma_start3A_149 = tpu.memref_slice %arg7[%dma_start3A_146, %dma_start3A_148] : memref<32x128xf32, #tpu.memory_space<vmem>> -> memref<1x128xf32, #tpu.memory_space<vmem>>
      %dma_start3A_150 = tpu.memref_squeeze %dma_start3A_149 : memref<1x128xf32, #tpu.memory_space<vmem>> -> memref<128xf32, #tpu.memory_space<vmem>>
      %dma_start3A_151 = arith.constant 0 : i32
      %dma_start3A_152 = tpu.memref_slice %arg8[%dma_start3A_147, %dma_start3A_151] : memref<32x128xi32, #tpu.memory_space<vmem>> -> memref<1x128xi32, #tpu.memory_space<vmem>>
      %dma_start3A_153 = tpu.memref_squeeze %dma_start3A_152 : memref<1x128xi32, #tpu.memory_space<vmem>> -> memref<128xi32, #tpu.memory_space<vmem>>
      %dma_start3A_154 = arith.constant 0 : i32
      %dma_start3A_155 = tpu.memref_slice %arg10[%dma_start3A_154] : memref<1024xf32, #tpu.memory_space<vmem_shared>> -> memref<1024xf32, #tpu.memory_space<vmem_shared>>
      tpu.enqueue_indirect_dma source(%dma_start3A_150 : memref<128xf32, #tpu.memory_space<vmem>>) target(%dma_start3A_155 : memref<1024xf32, #tpu.memory_space<vmem_shared>>) offsets(%dma_start3A_153 : memref<128xi32, #tpu.memory_space<vmem>>) semaphore(%arg13 : memref<!tpu.dma_semaphore, #tpu.memory_space<semaphore_mem>>) {add = true}
      %dma_start3A_156 = arith.constant 15 : i32
      %dma_start3A_157 = arith.constant 15 : i32
      %dma_start3A_158 = arith.constant 0 : i32
      %dma_start3A_159 = tpu.memref_slice %arg7[%dma_start3A_156, %dma_start3A_158] : memref<32x128xf32, #tpu.memory_space<vmem>> -> memref<1x128xf32, #tpu.memory_space<vmem>>
      %dma_start3A_160 = tpu.memref_squeeze %dma_start3A_159 : memref<1x128xf32, #tpu.memory_space<vmem>> -> memref<128xf32, #tpu.memory_space<vmem>>
      %dma_start3A_161 = arith.constant 0 : i32
      %dma_start3A_162 = tpu.memref_slice %arg8[%dma_start3A_157, %dma_start3A_161] : memref<32x128xi32, #tpu.memory_space<vmem>> -> memref<1x128xi32, #tpu.memory_space<vmem>>
      %dma_start3A_163 = tpu.memref_squeeze %dma_start3A_162 : memref<1x128xi32, #tpu.memory_space<vmem>> -> memref<128xi32, #tpu.memory_space<vmem>>
      %dma_start3A_164 = arith.constant 0 : i32
      %dma_start3A_165 = tpu.memref_slice %arg10[%dma_start3A_164] : memref<1024xf32, #tpu.memory_space<vmem_shared>> -> memref<1024xf32, #tpu.memory_space<vmem_shared>>
      tpu.enqueue_indirect_dma source(%dma_start3A_160 : memref<128xf32, #tpu.memory_space<vmem>>) target(%dma_start3A_165 : memref<1024xf32, #tpu.memory_space<vmem_shared>>) offsets(%dma_start3A_163 : memref<128xi32, #tpu.memory_space<vmem>>) semaphore(%arg13 : memref<!tpu.dma_semaphore, #tpu.memory_space<semaphore_mem>>) {add = true}
      %dma_start3A_166 = arith.constant 16 : i32
      %dma_start3A_167 = arith.constant 16 : i32
      %dma_start3A_168 = arith.constant 0 : i32
      %dma_start3A_169 = tpu.memref_slice %arg7[%dma_start3A_166, %dma_start3A_168] : memref<32x128xf32, #tpu.memory_space<vmem>> -> memref<1x128xf32, #tpu.memory_space<vmem>>
      %dma_start3A_170 = tpu.memref_squeeze %dma_start3A_169 : memref<1x128xf32, #tpu.memory_space<vmem>> -> memref<128xf32, #tpu.memory_space<vmem>>
      %dma_start3A_171 = arith.constant 0 : i32
      %dma_start3A_172 = tpu.memref_slice %arg8[%dma_start3A_167, %dma_start3A_171] : memref<32x128xi32, #tpu.memory_space<vmem>> -> memref<1x128xi32, #tpu.memory_space<vmem>>
      %dma_start3A_173 = tpu.memref_squeeze %dma_start3A_172 : memref<1x128xi32, #tpu.memory_space<vmem>> -> memref<128xi32, #tpu.memory_space<vmem>>
      %dma_start3A_174 = arith.constant 0 : i32
      %dma_start3A_175 = tpu.memref_slice %arg10[%dma_start3A_174] : memref<1024xf32, #tpu.memory_space<vmem_shared>> -> memref<1024xf32, #tpu.memory_space<vmem_shared>>
      tpu.enqueue_indirect_dma source(%dma_start3A_170 : memref<128xf32, #tpu.memory_space<vmem>>) target(%dma_start3A_175 : memref<1024xf32, #tpu.memory_space<vmem_shared>>) offsets(%dma_start3A_173 : memref<128xi32, #tpu.memory_space<vmem>>) semaphore(%arg13 : memref<!tpu.dma_semaphore, #tpu.memory_space<semaphore_mem>>) {add = true}
      %dma_start3A_176 = arith.constant 17 : i32
      %dma_start3A_177 = arith.constant 17 : i32
      %dma_start3A_178 = arith.constant 0 : i32
      %dma_start3A_179 = tpu.memref_slice %arg7[%dma_start3A_176, %dma_start3A_178] : memref<32x128xf32, #tpu.memory_space<vmem>> -> memref<1x128xf32, #tpu.memory_space<vmem>>
      %dma_start3A_180 = tpu.memref_squeeze %dma_start3A_179 : memref<1x128xf32, #tpu.memory_space<vmem>> -> memref<128xf32, #tpu.memory_space<vmem>>
      %dma_start3A_181 = arith.constant 0 : i32
      %dma_start3A_182 = tpu.memref_slice %arg8[%dma_start3A_177, %dma_start3A_181] : memref<32x128xi32, #tpu.memory_space<vmem>> -> memref<1x128xi32, #tpu.memory_space<vmem>>
      %dma_start3A_183 = tpu.memref_squeeze %dma_start3A_182 : memref<1x128xi32, #tpu.memory_space<vmem>> -> memref<128xi32, #tpu.memory_space<vmem>>
      %dma_start3A_184 = arith.constant 0 : i32
      %dma_start3A_185 = tpu.memref_slice %arg10[%dma_start3A_184] : memref<1024xf32, #tpu.memory_space<vmem_shared>> -> memref<1024xf32, #tpu.memory_space<vmem_shared>>
      tpu.enqueue_indirect_dma source(%dma_start3A_180 : memref<128xf32, #tpu.memory_space<vmem>>) target(%dma_start3A_185 : memref<1024xf32, #tpu.memory_space<vmem_shared>>) offsets(%dma_start3A_183 : memref<128xi32, #tpu.memory_space<vmem>>) semaphore(%arg13 : memref<!tpu.dma_semaphore, #tpu.memory_space<semaphore_mem>>) {add = true}
      %dma_start3A_186 = arith.constant 18 : i32
      %dma_start3A_187 = arith.constant 18 : i32
      %dma_start3A_188 = arith.constant 0 : i32
      %dma_start3A_189 = tpu.memref_slice %arg7[%dma_start3A_186, %dma_start3A_188] : memref<32x128xf32, #tpu.memory_space<vmem>> -> memref<1x128xf32, #tpu.memory_space<vmem>>
      %dma_start3A_190 = tpu.memref_squeeze %dma_start3A_189 : memref<1x128xf32, #tpu.memory_space<vmem>> -> memref<128xf32, #tpu.memory_space<vmem>>
      %dma_start3A_191 = arith.constant 0 : i32
      %dma_start3A_192 = tpu.memref_slice %arg8[%dma_start3A_187, %dma_start3A_191] : memref<32x128xi32, #tpu.memory_space<vmem>> -> memref<1x128xi32, #tpu.memory_space<vmem>>
      %dma_start3A_193 = tpu.memref_squeeze %dma_start3A_192 : memref<1x128xi32, #tpu.memory_space<vmem>> -> memref<128xi32, #tpu.memory_space<vmem>>
      %dma_start3A_194 = arith.constant 0 : i32
      %dma_start3A_195 = tpu.memref_slice %arg10[%dma_start3A_194] : memref<1024xf32, #tpu.memory_space<vmem_shared>> -> memref<1024xf32, #tpu.memory_space<vmem_shared>>
      tpu.enqueue_indirect_dma source(%dma_start3A_190 : memref<128xf32, #tpu.memory_space<vmem>>) target(%dma_start3A_195 : memref<1024xf32, #tpu.memory_space<vmem_shared>>) offsets(%dma_start3A_193 : memref<128xi32, #tpu.memory_space<vmem>>) semaphore(%arg13 : memref<!tpu.dma_semaphore, #tpu.memory_space<semaphore_mem>>) {add = true}
      %dma_start3A_196 = arith.constant 19 : i32
      %dma_start3A_197 = arith.constant 19 : i32
      %dma_start3A_198 = arith.constant 0 : i32
      %dma_start3A_199 = tpu.memref_slice %arg7[%dma_start3A_196, %dma_start3A_198] : memref<32x128xf32, #tpu.memory_space<vmem>> -> memref<1x128xf32, #tpu.memory_space<vmem>>
      %dma_start3A_200 = tpu.memref_squeeze %dma_start3A_199 : memref<1x128xf32, #tpu.memory_space<vmem>> -> memref<128xf32, #tpu.memory_space<vmem>>
      %dma_start3A_201 = arith.constant 0 : i32
      %dma_start3A_202 = tpu.memref_slice %arg8[%dma_start3A_197, %dma_start3A_201] : memref<32x128xi32, #tpu.memory_space<vmem>> -> memref<1x128xi32, #tpu.memory_space<vmem>>
      %dma_start3A_203 = tpu.memref_squeeze %dma_start3A_202 : memref<1x128xi32, #tpu.memory_space<vmem>> -> memref<128xi32, #tpu.memory_space<vmem>>
      %dma_start3A_204 = arith.constant 0 : i32
      %dma_start3A_205 = tpu.memref_slice %arg10[%dma_start3A_204] : memref<1024xf32, #tpu.memory_space<vmem_shared>> -> memref<1024xf32, #tpu.memory_space<vmem_shared>>
      tpu.enqueue_indirect_dma source(%dma_start3A_200 : memref<128xf32, #tpu.memory_space<vmem>>) target(%dma_start3A_205 : memref<1024xf32, #tpu.memory_space<vmem_shared>>) offsets(%dma_start3A_203 : memref<128xi32, #tpu.memory_space<vmem>>) semaphore(%arg13 : memref<!tpu.dma_semaphore, #tpu.memory_space<semaphore_mem>>) {add = true}
      %dma_start3A_206 = arith.constant 20 : i32
      %dma_start3A_207 = arith.constant 20 : i32
      %dma_start3A_208 = arith.constant 0 : i32
      %dma_start3A_209 = tpu.memref_slice %arg7[%dma_start3A_206, %dma_start3A_208] : memref<32x128xf32, #tpu.memory_space<vmem>> -> memref<1x128xf32, #tpu.memory_space<vmem>>
      %dma_start3A_210 = tpu.memref_squeeze %dma_start3A_209 : memref<1x128xf32, #tpu.memory_space<vmem>> -> memref<128xf32, #tpu.memory_space<vmem>>
      %dma_start3A_211 = arith.constant 0 : i32
      %dma_start3A_212 = tpu.memref_slice %arg8[%dma_start3A_207, %dma_start3A_211] : memref<32x128xi32, #tpu.memory_space<vmem>> -> memref<1x128xi32, #tpu.memory_space<vmem>>
      %dma_start3A_213 = tpu.memref_squeeze %dma_start3A_212 : memref<1x128xi32, #tpu.memory_space<vmem>> -> memref<128xi32, #tpu.memory_space<vmem>>
      %dma_start3A_214 = arith.constant 0 : i32
      %dma_start3A_215 = tpu.memref_slice %arg10[%dma_start3A_214] : memref<1024xf32, #tpu.memory_space<vmem_shared>> -> memref<1024xf32, #tpu.memory_space<vmem_shared>>
      tpu.enqueue_indirect_dma source(%dma_start3A_210 : memref<128xf32, #tpu.memory_space<vmem>>) target(%dma_start3A_215 : memref<1024xf32, #tpu.memory_space<vmem_shared>>) offsets(%dma_start3A_213 : memref<128xi32, #tpu.memory_space<vmem>>) semaphore(%arg13 : memref<!tpu.dma_semaphore, #tpu.memory_space<semaphore_mem>>) {add = true}
      %dma_start3A_216 = arith.constant 21 : i32
      %dma_start3A_217 = arith.constant 21 : i32
      %dma_start3A_218 = arith.constant 0 : i32
      %dma_start3A_219 = tpu.memref_slice %arg7[%dma_start3A_216, %dma_start3A_218] : memref<32x128xf32, #tpu.memory_space<vmem>> -> memref<1x128xf32, #tpu.memory_space<vmem>>
      %dma_start3A_220 = tpu.memref_squeeze %dma_start3A_219 : memref<1x128xf32, #tpu.memory_space<vmem>> -> memref<128xf32, #tpu.memory_space<vmem>>
      %dma_start3A_221 = arith.constant 0 : i32
      %dma_start3A_222 = tpu.memref_slice %arg8[%dma_start3A_217, %dma_start3A_221] : memref<32x128xi32, #tpu.memory_space<vmem>> -> memref<1x128xi32, #tpu.memory_space<vmem>>
      %dma_start3A_223 = tpu.memref_squeeze %dma_start3A_222 : memref<1x128xi32, #tpu.memory_space<vmem>> -> memref<128xi32, #tpu.memory_space<vmem>>
      %dma_start3A_224 = arith.constant 0 : i32
      %dma_start3A_225 = tpu.memref_slice %arg10[%dma_start3A_224] : memref<1024xf32, #tpu.memory_space<vmem_shared>> -> memref<1024xf32, #tpu.memory_space<vmem_shared>>
      tpu.enqueue_indirect_dma source(%dma_start3A_220 : memref<128xf32, #tpu.memory_space<vmem>>) target(%dma_start3A_225 : memref<1024xf32, #tpu.memory_space<vmem_shared>>) offsets(%dma_start3A_223 : memref<128xi32, #tpu.memory_space<vmem>>) semaphore(%arg13 : memref<!tpu.dma_semaphore, #tpu.memory_space<semaphore_mem>>) {add = true}
      %dma_start3A_226 = arith.constant 22 : i32
      %dma_start3A_227 = arith.constant 22 : i32
      %dma_start3A_228 = arith.constant 0 : i32
      %dma_start3A_229 = tpu.memref_slice %arg7[%dma_start3A_226, %dma_start3A_228] : memref<32x128xf32, #tpu.memory_space<vmem>> -> memref<1x128xf32, #tpu.memory_space<vmem>>
      %dma_start3A_230 = tpu.memref_squeeze %dma_start3A_229 : memref<1x128xf32, #tpu.memory_space<vmem>> -> memref<128xf32, #tpu.memory_space<vmem>>
      %dma_start3A_231 = arith.constant 0 : i32
      %dma_start3A_232 = tpu.memref_slice %arg8[%dma_start3A_227, %dma_start3A_231] : memref<32x128xi32, #tpu.memory_space<vmem>> -> memref<1x128xi32, #tpu.memory_space<vmem>>
      %dma_start3A_233 = tpu.memref_squeeze %dma_start3A_232 : memref<1x128xi32, #tpu.memory_space<vmem>> -> memref<128xi32, #tpu.memory_space<vmem>>
      %dma_start3A_234 = arith.constant 0 : i32
      %dma_start3A_235 = tpu.memref_slice %arg10[%dma_start3A_234] : memref<1024xf32, #tpu.memory_space<vmem_shared>> -> memref<1024xf32, #tpu.memory_space<vmem_shared>>
      tpu.enqueue_indirect_dma source(%dma_start3A_230 : memref<128xf32, #tpu.memory_space<vmem>>) target(%dma_start3A_235 : memref<1024xf32, #tpu.memory_space<vmem_shared>>) offsets(%dma_start3A_233 : memref<128xi32, #tpu.memory_space<vmem>>) semaphore(%arg13 : memref<!tpu.dma_semaphore, #tpu.memory_space<semaphore_mem>>) {add = true}
      %dma_start3A_236 = arith.constant 23 : i32
      %dma_start3A_237 = arith.constant 23 : i32
      %dma_start3A_238 = arith.constant 0 : i32
      %dma_start3A_239 = tpu.memref_slice %arg7[%dma_start3A_236, %dma_start3A_238] : memref<32x128xf32, #tpu.memory_space<vmem>> -> memref<1x128xf32, #tpu.memory_space<vmem>>
      %dma_start3A_240 = tpu.memref_squeeze %dma_start3A_239 : memref<1x128xf32, #tpu.memory_space<vmem>> -> memref<128xf32, #tpu.memory_space<vmem>>
      %dma_start3A_241 = arith.constant 0 : i32
      %dma_start3A_242 = tpu.memref_slice %arg8[%dma_start3A_237, %dma_start3A_241] : memref<32x128xi32, #tpu.memory_space<vmem>> -> memref<1x128xi32, #tpu.memory_space<vmem>>
      %dma_start3A_243 = tpu.memref_squeeze %dma_start3A_242 : memref<1x128xi32, #tpu.memory_space<vmem>> -> memref<128xi32, #tpu.memory_space<vmem>>
      %dma_start3A_244 = arith.constant 0 : i32
      %dma_start3A_245 = tpu.memref_slice %arg10[%dma_start3A_244] : memref<1024xf32, #tpu.memory_space<vmem_shared>> -> memref<1024xf32, #tpu.memory_space<vmem_shared>>
      tpu.enqueue_indirect_dma source(%dma_start3A_240 : memref<128xf32, #tpu.memory_space<vmem>>) target(%dma_start3A_245 : memref<1024xf32, #tpu.memory_space<vmem_shared>>) offsets(%dma_start3A_243 : memref<128xi32, #tpu.memory_space<vmem>>) semaphore(%arg13 : memref<!tpu.dma_semaphore, #tpu.memory_space<semaphore_mem>>) {add = true}
      %dma_start3A_246 = arith.constant 24 : i32
      %dma_start3A_247 = arith.constant 24 : i32
      %dma_start3A_248 = arith.constant 0 : i32
      %dma_start3A_249 = tpu.memref_slice %arg7[%dma_start3A_246, %dma_start3A_248] : memref<32x128xf32, #tpu.memory_space<vmem>> -> memref<1x128xf32, #tpu.memory_space<vmem>>
      %dma_start3A_250 = tpu.memref_squeeze %dma_start3A_249 : memref<1x128xf32, #tpu.memory_space<vmem>> -> memref<128xf32, #tpu.memory_space<vmem>>
      %dma_start3A_251 = arith.constant 0 : i32
      %dma_start3A_252 = tpu.memref_slice %arg8[%dma_start3A_247, %dma_start3A_251] : memref<32x128xi32, #tpu.memory_space<vmem>> -> memref<1x128xi32, #tpu.memory_space<vmem>>
      %dma_start3A_253 = tpu.memref_squeeze %dma_start3A_252 : memref<1x128xi32, #tpu.memory_space<vmem>> -> memref<128xi32, #tpu.memory_space<vmem>>
      %dma_start3A_254 = arith.constant 0 : i32
      %dma_start3A_255 = tpu.memref_slice %arg10[%dma_start3A_254] : memref<1024xf32, #tpu.memory_space<vmem_shared>> -> memref<1024xf32, #tpu.memory_space<vmem_shared>>
      tpu.enqueue_indirect_dma source(%dma_start3A_250 : memref<128xf32, #tpu.memory_space<vmem>>) target(%dma_start3A_255 : memref<1024xf32, #tpu.memory_space<vmem_shared>>) offsets(%dma_start3A_253 : memref<128xi32, #tpu.memory_space<vmem>>) semaphore(%arg13 : memref<!tpu.dma_semaphore, #tpu.memory_space<semaphore_mem>>) {add = true}
      %dma_start3A_256 = arith.constant 25 : i32
      %dma_start3A_257 = arith.constant 25 : i32
      %dma_start3A_258 = arith.constant 0 : i32
      %dma_start3A_259 = tpu.memref_slice %arg7[%dma_start3A_256, %dma_start3A_258] : memref<32x128xf32, #tpu.memory_space<vmem>> -> memref<1x128xf32, #tpu.memory_space<vmem>>
      %dma_start3A_260 = tpu.memref_squeeze %dma_start3A_259 : memref<1x128xf32, #tpu.memory_space<vmem>> -> memref<128xf32, #tpu.memory_space<vmem>>
      %dma_start3A_261 = arith.constant 0 : i32
      %dma_start3A_262 = tpu.memref_slice %arg8[%dma_start3A_257, %dma_start3A_261] : memref<32x128xi32, #tpu.memory_space<vmem>> -> memref<1x128xi32, #tpu.memory_space<vmem>>
      %dma_start3A_263 = tpu.memref_squeeze %dma_start3A_262 : memref<1x128xi32, #tpu.memory_space<vmem>> -> memref<128xi32, #tpu.memory_space<vmem>>
      %dma_start3A_264 = arith.constant 0 : i32
      %dma_start3A_265 = tpu.memref_slice %arg10[%dma_start3A_264] : memref<1024xf32, #tpu.memory_space<vmem_shared>> -> memref<1024xf32, #tpu.memory_space<vmem_shared>>
      tpu.enqueue_indirect_dma source(%dma_start3A_260 : memref<128xf32, #tpu.memory_space<vmem>>) target(%dma_start3A_265 : memref<1024xf32, #tpu.memory_space<vmem_shared>>) offsets(%dma_start3A_263 : memref<128xi32, #tpu.memory_space<vmem>>) semaphore(%arg13 : memref<!tpu.dma_semaphore, #tpu.memory_space<semaphore_mem>>) {add = true}
      %dma_start3A_266 = arith.constant 26 : i32
      %dma_start3A_267 = arith.constant 26 : i32
      %dma_start3A_268 = arith.constant 0 : i32
      %dma_start3A_269 = tpu.memref_slice %arg7[%dma_start3A_266, %dma_start3A_268] : memref<32x128xf32, #tpu.memory_space<vmem>> -> memref<1x128xf32, #tpu.memory_space<vmem>>
      %dma_start3A_270 = tpu.memref_squeeze %dma_start3A_269 : memref<1x128xf32, #tpu.memory_space<vmem>> -> memref<128xf32, #tpu.memory_space<vmem>>
      %dma_start3A_271 = arith.constant 0 : i32
      %dma_start3A_272 = tpu.memref_slice %arg8[%dma_start3A_267, %dma_start3A_271] : memref<32x128xi32, #tpu.memory_space<vmem>> -> memref<1x128xi32, #tpu.memory_space<vmem>>
      %dma_start3A_273 = tpu.memref_squeeze %dma_start3A_272 : memref<1x128xi32, #tpu.memory_space<vmem>> -> memref<128xi32, #tpu.memory_space<vmem>>
      %dma_start3A_274 = arith.constant 0 : i32
      %dma_start3A_275 = tpu.memref_slice %arg10[%dma_start3A_274] : memref<1024xf32, #tpu.memory_space<vmem_shared>> -> memref<1024xf32, #tpu.memory_space<vmem_shared>>
      tpu.enqueue_indirect_dma source(%dma_start3A_270 : memref<128xf32, #tpu.memory_space<vmem>>) target(%dma_start3A_275 : memref<1024xf32, #tpu.memory_space<vmem_shared>>) offsets(%dma_start3A_273 : memref<128xi32, #tpu.memory_space<vmem>>) semaphore(%arg13 : memref<!tpu.dma_semaphore, #tpu.memory_space<semaphore_mem>>) {add = true}
      %dma_start3A_276 = arith.constant 27 : i32
      %dma_start3A_277 = arith.constant 27 : i32
      %dma_start3A_278 = arith.constant 0 : i32
      %dma_start3A_279 = tpu.memref_slice %arg7[%dma_start3A_276, %dma_start3A_278] : memref<32x128xf32, #tpu.memory_space<vmem>> -> memref<1x128xf32, #tpu.memory_space<vmem>>
      %dma_start3A_280 = tpu.memref_squeeze %dma_start3A_279 : memref<1x128xf32, #tpu.memory_space<vmem>> -> memref<128xf32, #tpu.memory_space<vmem>>
      %dma_start3A_281 = arith.constant 0 : i32
      %dma_start3A_282 = tpu.memref_slice %arg8[%dma_start3A_277, %dma_start3A_281] : memref<32x128xi32, #tpu.memory_space<vmem>> -> memref<1x128xi32, #tpu.memory_space<vmem>>
      %dma_start3A_283 = tpu.memref_squeeze %dma_start3A_282 : memref<1x128xi32, #tpu.memory_space<vmem>> -> memref<128xi32, #tpu.memory_space<vmem>>
      %dma_start3A_284 = arith.constant 0 : i32
      %dma_start3A_285 = tpu.memref_slice %arg10[%dma_start3A_284] : memref<1024xf32, #tpu.memory_space<vmem_shared>> -> memref<1024xf32, #tpu.memory_space<vmem_shared>>
      tpu.enqueue_indirect_dma source(%dma_start3A_280 : memref<128xf32, #tpu.memory_space<vmem>>) target(%dma_start3A_285 : memref<1024xf32, #tpu.memory_space<vmem_shared>>) offsets(%dma_start3A_283 : memref<128xi32, #tpu.memory_space<vmem>>) semaphore(%arg13 : memref<!tpu.dma_semaphore, #tpu.memory_space<semaphore_mem>>) {add = true}
      %dma_start3A_286 = arith.constant 28 : i32
      %dma_start3A_287 = arith.constant 28 : i32
      %dma_start3A_288 = arith.constant 0 : i32
      %dma_start3A_289 = tpu.memref_slice %arg7[%dma_start3A_286, %dma_start3A_288] : memref<32x128xf32, #tpu.memory_space<vmem>> -> memref<1x128xf32, #tpu.memory_space<vmem>>
      %dma_start3A_290 = tpu.memref_squeeze %dma_start3A_289 : memref<1x128xf32, #tpu.memory_space<vmem>> -> memref<128xf32, #tpu.memory_space<vmem>>
      %dma_start3A_291 = arith.constant 0 : i32
      %dma_start3A_292 = tpu.memref_slice %arg8[%dma_start3A_287, %dma_start3A_291] : memref<32x128xi32, #tpu.memory_space<vmem>> -> memref<1x128xi32, #tpu.memory_space<vmem>>
      %dma_start3A_293 = tpu.memref_squeeze %dma_start3A_292 : memref<1x128xi32, #tpu.memory_space<vmem>> -> memref<128xi32, #tpu.memory_space<vmem>>
      %dma_start3A_294 = arith.constant 0 : i32
      %dma_start3A_295 = tpu.memref_slice %arg10[%dma_start3A_294] : memref<1024xf32, #tpu.memory_space<vmem_shared>> -> memref<1024xf32, #tpu.memory_space<vmem_shared>>
      tpu.enqueue_indirect_dma source(%dma_start3A_290 : memref<128xf32, #tpu.memory_space<vmem>>) target(%dma_start3A_295 : memref<1024xf32, #tpu.memory_space<vmem_shared>>) offsets(%dma_start3A_293 : memref<128xi32, #tpu.memory_space<vmem>>) semaphore(%arg13 : memref<!tpu.dma_semaphore, #tpu.memory_space<semaphore_mem>>) {add = true}
      %dma_start3A_296 = arith.constant 29 : i32
      %dma_start3A_297 = arith.constant 29 : i32
      %dma_start3A_298 = arith.constant 0 : i32
      %dma_start3A_299 = tpu.memref_slice %arg7[%dma_start3A_296, %dma_start3A_298] : memref<32x128xf32, #tpu.memory_space<vmem>> -> memref<1x128xf32, #tpu.memory_space<vmem>>
      %dma_start3A_300 = tpu.memref_squeeze %dma_start3A_299 : memref<1x128xf32, #tpu.memory_space<vmem>> -> memref<128xf32, #tpu.memory_space<vmem>>
      %dma_start3A_301 = arith.constant 0 : i32
      %dma_start3A_302 = tpu.memref_slice %arg8[%dma_start3A_297, %dma_start3A_301] : memref<32x128xi32, #tpu.memory_space<vmem>> -> memref<1x128xi32, #tpu.memory_space<vmem>>
      %dma_start3A_303 = tpu.memref_squeeze %dma_start3A_302 : memref<1x128xi32, #tpu.memory_space<vmem>> -> memref<128xi32, #tpu.memory_space<vmem>>
      %dma_start3A_304 = arith.constant 0 : i32
      %dma_start3A_305 = tpu.memref_slice %arg10[%dma_start3A_304] : memref<1024xf32, #tpu.memory_space<vmem_shared>> -> memref<1024xf32, #tpu.memory_space<vmem_shared>>
      tpu.enqueue_indirect_dma source(%dma_start3A_300 : memref<128xf32, #tpu.memory_space<vmem>>) target(%dma_start3A_305 : memref<1024xf32, #tpu.memory_space<vmem_shared>>) offsets(%dma_start3A_303 : memref<128xi32, #tpu.memory_space<vmem>>) semaphore(%arg13 : memref<!tpu.dma_semaphore, #tpu.memory_space<semaphore_mem>>) {add = true}
      %dma_start3A_306 = arith.constant 30 : i32
      %dma_start3A_307 = arith.constant 30 : i32
      %dma_start3A_308 = arith.constant 0 : i32
      %dma_start3A_309 = tpu.memref_slice %arg7[%dma_start3A_306, %dma_start3A_308] : memref<32x128xf32, #tpu.memory_space<vmem>> -> memref<1x128xf32, #tpu.memory_space<vmem>>
      %dma_start3A_310 = tpu.memref_squeeze %dma_start3A_309 : memref<1x128xf32, #tpu.memory_space<vmem>> -> memref<128xf32, #tpu.memory_space<vmem>>
      %dma_start3A_311 = arith.constant 0 : i32
      %dma_start3A_312 = tpu.memref_slice %arg8[%dma_start3A_307, %dma_start3A_311] : memref<32x128xi32, #tpu.memory_space<vmem>> -> memref<1x128xi32, #tpu.memory_space<vmem>>
      %dma_start3A_313 = tpu.memref_squeeze %dma_start3A_312 : memref<1x128xi32, #tpu.memory_space<vmem>> -> memref<128xi32, #tpu.memory_space<vmem>>
      %dma_start3A_314 = arith.constant 0 : i32
      %dma_start3A_315 = tpu.memref_slice %arg10[%dma_start3A_314] : memref<1024xf32, #tpu.memory_space<vmem_shared>> -> memref<1024xf32, #tpu.memory_space<vmem_shared>>
      tpu.enqueue_indirect_dma source(%dma_start3A_310 : memref<128xf32, #tpu.memory_space<vmem>>) target(%dma_start3A_315 : memref<1024xf32, #tpu.memory_space<vmem_shared>>) offsets(%dma_start3A_313 : memref<128xi32, #tpu.memory_space<vmem>>) semaphore(%arg13 : memref<!tpu.dma_semaphore, #tpu.memory_space<semaphore_mem>>) {add = true}
      %dma_start3A_316 = arith.constant 31 : i32
      %dma_start3A_317 = arith.constant 31 : i32
      %dma_start3A_318 = arith.constant 0 : i32
      %dma_start3A_319 = tpu.memref_slice %arg7[%dma_start3A_316, %dma_start3A_318] : memref<32x128xf32, #tpu.memory_space<vmem>> -> memref<1x128xf32, #tpu.memory_space<vmem>>
      %dma_start3A_320 = tpu.memref_squeeze %dma_start3A_319 : memref<1x128xf32, #tpu.memory_space<vmem>> -> memref<128xf32, #tpu.memory_space<vmem>>
      %dma_start3A_321 = arith.constant 0 : i32
      %dma_start3A_322 = tpu.memref_slice %arg8[%dma_start3A_317, %dma_start3A_321] : memref<32x128xi32, #tpu.memory_space<vmem>> -> memref<1x128xi32, #tpu.memory_space<vmem>>
      %dma_start3A_323 = tpu.memref_squeeze %dma_start3A_322 : memref<1x128xi32, #tpu.memory_space<vmem>> -> memref<128xi32, #tpu.memory_space<vmem>>
      %dma_start3A_324 = arith.constant 0 : i32
      %dma_start3A_325 = tpu.memref_slice %arg10[%dma_start3A_324] : memref<1024xf32, #tpu.memory_space<vmem_shared>> -> memref<1024xf32, #tpu.memory_space<vmem_shared>>
      tpu.enqueue_indirect_dma source(%dma_start3A_320 : memref<128xf32, #tpu.memory_space<vmem>>) target(%dma_start3A_325 : memref<1024xf32, #tpu.memory_space<vmem_shared>>) offsets(%dma_start3A_323 : memref<128xi32, #tpu.memory_space<vmem>>) semaphore(%arg13 : memref<!tpu.dma_semaphore, #tpu.memory_space<semaphore_mem>>) {add = true}
      %dma_wait3A = arith.constant 0 : i32
      %dma_wait3A_326 = arith.constant 0 : i32
      %dma_wait3A_327 = arith.constant 0 : i32
      %dma_wait3A_328 = tpu.memref_slice %arg7[%dma_wait3A, %dma_wait3A_327] : memref<32x128xf32, #tpu.memory_space<vmem>> -> memref<1x128xf32, #tpu.memory_space<vmem>>
      %dma_wait3A_329 = tpu.memref_squeeze %dma_wait3A_328 : memref<1x128xf32, #tpu.memory_space<vmem>> -> memref<128xf32, #tpu.memory_space<vmem>>
      %dma_wait3A_330 = arith.constant 0 : i32
      %dma_wait3A_331 = tpu.memref_slice %arg8[%dma_wait3A_326, %dma_wait3A_330] : memref<32x128xi32, #tpu.memory_space<vmem>> -> memref<1x128xi32, #tpu.memory_space<vmem>>
      %dma_wait3A_332 = tpu.memref_squeeze %dma_wait3A_331 : memref<1x128xi32, #tpu.memory_space<vmem>> -> memref<128xi32, #tpu.memory_space<vmem>>
      %dma_wait3A_333 = arith.constant 0 : i32
      %dma_wait3A_334 = tpu.memref_slice %arg10[%dma_wait3A_333] : memref<1024xf32, #tpu.memory_space<vmem_shared>> -> memref<1024xf32, #tpu.memory_space<vmem_shared>>
      tpu.wait_indirect_dma semaphore(%arg13 : memref<!tpu.dma_semaphore, #tpu.memory_space<semaphore_mem>>) src(%dma_wait3A_329 : memref<128xf32, #tpu.memory_space<vmem>>) dst(%dma_wait3A_334 : memref<1024xf32, #tpu.memory_space<vmem_shared>>)
      %dma_wait3A_335 = arith.constant 1 : i32
      %dma_wait3A_336 = arith.constant 1 : i32
      %dma_wait3A_337 = arith.constant 0 : i32
      %dma_wait3A_338 = tpu.memref_slice %arg7[%dma_wait3A_335, %dma_wait3A_337] : memref<32x128xf32, #tpu.memory_space<vmem>> -> memref<1x128xf32, #tpu.memory_space<vmem>>
      %dma_wait3A_339 = tpu.memref_squeeze %dma_wait3A_338 : memref<1x128xf32, #tpu.memory_space<vmem>> -> memref<128xf32, #tpu.memory_space<vmem>>
      %dma_wait3A_340 = arith.constant 0 : i32
      %dma_wait3A_341 = tpu.memref_slice %arg8[%dma_wait3A_336, %dma_wait3A_340] : memref<32x128xi32, #tpu.memory_space<vmem>> -> memref<1x128xi32, #tpu.memory_space<vmem>>
      %dma_wait3A_342 = tpu.memref_squeeze %dma_wait3A_341 : memref<1x128xi32, #tpu.memory_space<vmem>> -> memref<128xi32, #tpu.memory_space<vmem>>
      %dma_wait3A_343 = arith.constant 0 : i32
      %dma_wait3A_344 = tpu.memref_slice %arg10[%dma_wait3A_343] : memref<1024xf32, #tpu.memory_space<vmem_shared>> -> memref<1024xf32, #tpu.memory_space<vmem_shared>>
      tpu.wait_indirect_dma semaphore(%arg13 : memref<!tpu.dma_semaphore, #tpu.memory_space<semaphore_mem>>) src(%dma_wait3A_339 : memref<128xf32, #tpu.memory_space<vmem>>) dst(%dma_wait3A_344 : memref<1024xf32, #tpu.memory_space<vmem_shared>>)
      %dma_wait3A_345 = arith.constant 2 : i32
      %dma_wait3A_346 = arith.constant 2 : i32
      %dma_wait3A_347 = arith.constant 0 : i32
      %dma_wait3A_348 = tpu.memref_slice %arg7[%dma_wait3A_345, %dma_wait3A_347] : memref<32x128xf32, #tpu.memory_space<vmem>> -> memref<1x128xf32, #tpu.memory_space<vmem>>
      %dma_wait3A_349 = tpu.memref_squeeze %dma_wait3A_348 : memref<1x128xf32, #tpu.memory_space<vmem>> -> memref<128xf32, #tpu.memory_space<vmem>>
      %dma_wait3A_350 = arith.constant 0 : i32
      %dma_wait3A_351 = tpu.memref_slice %arg8[%dma_wait3A_346, %dma_wait3A_350] : memref<32x128xi32, #tpu.memory_space<vmem>> -> memref<1x128xi32, #tpu.memory_space<vmem>>
      %dma_wait3A_352 = tpu.memref_squeeze %dma_wait3A_351 : memref<1x128xi32, #tpu.memory_space<vmem>> -> memref<128xi32, #tpu.memory_space<vmem>>
      %dma_wait3A_353 = arith.constant 0 : i32
      %dma_wait3A_354 = tpu.memref_slice %arg10[%dma_wait3A_353] : memref<1024xf32, #tpu.memory_space<vmem_shared>> -> memref<1024xf32, #tpu.memory_space<vmem_shared>>
      tpu.wait_indirect_dma semaphore(%arg13 : memref<!tpu.dma_semaphore, #tpu.memory_space<semaphore_mem>>) src(%dma_wait3A_349 : memref<128xf32, #tpu.memory_space<vmem>>) dst(%dma_wait3A_354 : memref<1024xf32, #tpu.memory_space<vmem_shared>>)
      %dma_wait3A_355 = arith.constant 3 : i32
      %dma_wait3A_356 = arith.constant 3 : i32
      %dma_wait3A_357 = arith.constant 0 : i32
      %dma_wait3A_358 = tpu.memref_slice %arg7[%dma_wait3A_355, %dma_wait3A_357] : memref<32x128xf32, #tpu.memory_space<vmem>> -> memref<1x128xf32, #tpu.memory_space<vmem>>
      %dma_wait3A_359 = tpu.memref_squeeze %dma_wait3A_358 : memref<1x128xf32, #tpu.memory_space<vmem>> -> memref<128xf32, #tpu.memory_space<vmem>>
      %dma_wait3A_360 = arith.constant 0 : i32
      %dma_wait3A_361 = tpu.memref_slice %arg8[%dma_wait3A_356, %dma_wait3A_360] : memref<32x128xi32, #tpu.memory_space<vmem>> -> memref<1x128xi32, #tpu.memory_space<vmem>>
      %dma_wait3A_362 = tpu.memref_squeeze %dma_wait3A_361 : memref<1x128xi32, #tpu.memory_space<vmem>> -> memref<128xi32, #tpu.memory_space<vmem>>
      %dma_wait3A_363 = arith.constant 0 : i32
      %dma_wait3A_364 = tpu.memref_slice %arg10[%dma_wait3A_363] : memref<1024xf32, #tpu.memory_space<vmem_shared>> -> memref<1024xf32, #tpu.memory_space<vmem_shared>>
      tpu.wait_indirect_dma semaphore(%arg13 : memref<!tpu.dma_semaphore, #tpu.memory_space<semaphore_mem>>) src(%dma_wait3A_359 : memref<128xf32, #tpu.memory_space<vmem>>) dst(%dma_wait3A_364 : memref<1024xf32, #tpu.memory_space<vmem_shared>>)
      %dma_wait3A_365 = arith.constant 4 : i32
      %dma_wait3A_366 = arith.constant 4 : i32
      %dma_wait3A_367 = arith.constant 0 : i32
      %dma_wait3A_368 = tpu.memref_slice %arg7[%dma_wait3A_365, %dma_wait3A_367] : memref<32x128xf32, #tpu.memory_space<vmem>> -> memref<1x128xf32, #tpu.memory_space<vmem>>
      %dma_wait3A_369 = tpu.memref_squeeze %dma_wait3A_368 : memref<1x128xf32, #tpu.memory_space<vmem>> -> memref<128xf32, #tpu.memory_space<vmem>>
      %dma_wait3A_370 = arith.constant 0 : i32
      %dma_wait3A_371 = tpu.memref_slice %arg8[%dma_wait3A_366, %dma_wait3A_370] : memref<32x128xi32, #tpu.memory_space<vmem>> -> memref<1x128xi32, #tpu.memory_space<vmem>>
      %dma_wait3A_372 = tpu.memref_squeeze %dma_wait3A_371 : memref<1x128xi32, #tpu.memory_space<vmem>> -> memref<128xi32, #tpu.memory_space<vmem>>
      %dma_wait3A_373 = arith.constant 0 : i32
      %dma_wait3A_374 = tpu.memref_slice %arg10[%dma_wait3A_373] : memref<1024xf32, #tpu.memory_space<vmem_shared>> -> memref<1024xf32, #tpu.memory_space<vmem_shared>>
      tpu.wait_indirect_dma semaphore(%arg13 : memref<!tpu.dma_semaphore, #tpu.memory_space<semaphore_mem>>) src(%dma_wait3A_369 : memref<128xf32, #tpu.memory_space<vmem>>) dst(%dma_wait3A_374 : memref<1024xf32, #tpu.memory_space<vmem_shared>>)
      %dma_wait3A_375 = arith.constant 5 : i32
      %dma_wait3A_376 = arith.constant 5 : i32
      %dma_wait3A_377 = arith.constant 0 : i32
      %dma_wait3A_378 = tpu.memref_slice %arg7[%dma_wait3A_375, %dma_wait3A_377] : memref<32x128xf32, #tpu.memory_space<vmem>> -> memref<1x128xf32, #tpu.memory_space<vmem>>
      %dma_wait3A_379 = tpu.memref_squeeze %dma_wait3A_378 : memref<1x128xf32, #tpu.memory_space<vmem>> -> memref<128xf32, #tpu.memory_space<vmem>>
      %dma_wait3A_380 = arith.constant 0 : i32
      %dma_wait3A_381 = tpu.memref_slice %arg8[%dma_wait3A_376, %dma_wait3A_380] : memref<32x128xi32, #tpu.memory_space<vmem>> -> memref<1x128xi32, #tpu.memory_space<vmem>>
      %dma_wait3A_382 = tpu.memref_squeeze %dma_wait3A_381 : memref<1x128xi32, #tpu.memory_space<vmem>> -> memref<128xi32, #tpu.memory_space<vmem>>
      %dma_wait3A_383 = arith.constant 0 : i32
      %dma_wait3A_384 = tpu.memref_slice %arg10[%dma_wait3A_383] : memref<1024xf32, #tpu.memory_space<vmem_shared>> -> memref<1024xf32, #tpu.memory_space<vmem_shared>>
      tpu.wait_indirect_dma semaphore(%arg13 : memref<!tpu.dma_semaphore, #tpu.memory_space<semaphore_mem>>) src(%dma_wait3A_379 : memref<128xf32, #tpu.memory_space<vmem>>) dst(%dma_wait3A_384 : memref<1024xf32, #tpu.memory_space<vmem_shared>>)
      %dma_wait3A_385 = arith.constant 6 : i32
      %dma_wait3A_386 = arith.constant 6 : i32
      %dma_wait3A_387 = arith.constant 0 : i32
      %dma_wait3A_388 = tpu.memref_slice %arg7[%dma_wait3A_385, %dma_wait3A_387] : memref<32x128xf32, #tpu.memory_space<vmem>> -> memref<1x128xf32, #tpu.memory_space<vmem>>
      %dma_wait3A_389 = tpu.memref_squeeze %dma_wait3A_388 : memref<1x128xf32, #tpu.memory_space<vmem>> -> memref<128xf32, #tpu.memory_space<vmem>>
      %dma_wait3A_390 = arith.constant 0 : i32
      %dma_wait3A_391 = tpu.memref_slice %arg8[%dma_wait3A_386, %dma_wait3A_390] : memref<32x128xi32, #tpu.memory_space<vmem>> -> memref<1x128xi32, #tpu.memory_space<vmem>>
      %dma_wait3A_392 = tpu.memref_squeeze %dma_wait3A_391 : memref<1x128xi32, #tpu.memory_space<vmem>> -> memref<128xi32, #tpu.memory_space<vmem>>
      %dma_wait3A_393 = arith.constant 0 : i32
      %dma_wait3A_394 = tpu.memref_slice %arg10[%dma_wait3A_393] : memref<1024xf32, #tpu.memory_space<vmem_shared>> -> memref<1024xf32, #tpu.memory_space<vmem_shared>>
      tpu.wait_indirect_dma semaphore(%arg13 : memref<!tpu.dma_semaphore, #tpu.memory_space<semaphore_mem>>) src(%dma_wait3A_389 : memref<128xf32, #tpu.memory_space<vmem>>) dst(%dma_wait3A_394 : memref<1024xf32, #tpu.memory_space<vmem_shared>>)
      %dma_wait3A_395 = arith.constant 7 : i32
      %dma_wait3A_396 = arith.constant 7 : i32
      %dma_wait3A_397 = arith.constant 0 : i32
      %dma_wait3A_398 = tpu.memref_slice %arg7[%dma_wait3A_395, %dma_wait3A_397] : memref<32x128xf32, #tpu.memory_space<vmem>> -> memref<1x128xf32, #tpu.memory_space<vmem>>
      %dma_wait3A_399 = tpu.memref_squeeze %dma_wait3A_398 : memref<1x128xf32, #tpu.memory_space<vmem>> -> memref<128xf32, #tpu.memory_space<vmem>>
      %dma_wait3A_400 = arith.constant 0 : i32
      %dma_wait3A_401 = tpu.memref_slice %arg8[%dma_wait3A_396, %dma_wait3A_400] : memref<32x128xi32, #tpu.memory_space<vmem>> -> memref<1x128xi32, #tpu.memory_space<vmem>>
      %dma_wait3A_402 = tpu.memref_squeeze %dma_wait3A_401 : memref<1x128xi32, #tpu.memory_space<vmem>> -> memref<128xi32, #tpu.memory_space<vmem>>
      %dma_wait3A_403 = arith.constant 0 : i32
      %dma_wait3A_404 = tpu.memref_slice %arg10[%dma_wait3A_403] : memref<1024xf32, #tpu.memory_space<vmem_shared>> -> memref<1024xf32, #tpu.memory_space<vmem_shared>>
      tpu.wait_indirect_dma semaphore(%arg13 : memref<!tpu.dma_semaphore, #tpu.memory_space<semaphore_mem>>) src(%dma_wait3A_399 : memref<128xf32, #tpu.memory_space<vmem>>) dst(%dma_wait3A_404 : memref<1024xf32, #tpu.memory_space<vmem_shared>>)
      %dma_wait3A_405 = arith.constant 8 : i32
      %dma_wait3A_406 = arith.constant 8 : i32
      %dma_wait3A_407 = arith.constant 0 : i32
      %dma_wait3A_408 = tpu.memref_slice %arg7[%dma_wait3A_405, %dma_wait3A_407] : memref<32x128xf32, #tpu.memory_space<vmem>> -> memref<1x128xf32, #tpu.memory_space<vmem>>
      %dma_wait3A_409 = tpu.memref_squeeze %dma_wait3A_408 : memref<1x128xf32, #tpu.memory_space<vmem>> -> memref<128xf32, #tpu.memory_space<vmem>>
      %dma_wait3A_410 = arith.constant 0 : i32
      %dma_wait3A_411 = tpu.memref_slice %arg8[%dma_wait3A_406, %dma_wait3A_410] : memref<32x128xi32, #tpu.memory_space<vmem>> -> memref<1x128xi32, #tpu.memory_space<vmem>>
      %dma_wait3A_412 = tpu.memref_squeeze %dma_wait3A_411 : memref<1x128xi32, #tpu.memory_space<vmem>> -> memref<128xi32, #tpu.memory_space<vmem>>
      %dma_wait3A_413 = arith.constant 0 : i32
      %dma_wait3A_414 = tpu.memref_slice %arg10[%dma_wait3A_413] : memref<1024xf32, #tpu.memory_space<vmem_shared>> -> memref<1024xf32, #tpu.memory_space<vmem_shared>>
      tpu.wait_indirect_dma semaphore(%arg13 : memref<!tpu.dma_semaphore, #tpu.memory_space<semaphore_mem>>) src(%dma_wait3A_409 : memref<128xf32, #tpu.memory_space<vmem>>) dst(%dma_wait3A_414 : memref<1024xf32, #tpu.memory_space<vmem_shared>>)
      %dma_wait3A_415 = arith.constant 9 : i32
      %dma_wait3A_416 = arith.constant 9 : i32
      %dma_wait3A_417 = arith.constant 0 : i32
      %dma_wait3A_418 = tpu.memref_slice %arg7[%dma_wait3A_415, %dma_wait3A_417] : memref<32x128xf32, #tpu.memory_space<vmem>> -> memref<1x128xf32, #tpu.memory_space<vmem>>
      %dma_wait3A_419 = tpu.memref_squeeze %dma_wait3A_418 : memref<1x128xf32, #tpu.memory_space<vmem>> -> memref<128xf32, #tpu.memory_space<vmem>>
      %dma_wait3A_420 = arith.constant 0 : i32
      %dma_wait3A_421 = tpu.memref_slice %arg8[%dma_wait3A_416, %dma_wait3A_420] : memref<32x128xi32, #tpu.memory_space<vmem>> -> memref<1x128xi32, #tpu.memory_space<vmem>>
      %dma_wait3A_422 = tpu.memref_squeeze %dma_wait3A_421 : memref<1x128xi32, #tpu.memory_space<vmem>> -> memref<128xi32, #tpu.memory_space<vmem>>
      %dma_wait3A_423 = arith.constant 0 : i32
      %dma_wait3A_424 = tpu.memref_slice %arg10[%dma_wait3A_423] : memref<1024xf32, #tpu.memory_space<vmem_shared>> -> memref<1024xf32, #tpu.memory_space<vmem_shared>>
      tpu.wait_indirect_dma semaphore(%arg13 : memref<!tpu.dma_semaphore, #tpu.memory_space<semaphore_mem>>) src(%dma_wait3A_419 : memref<128xf32, #tpu.memory_space<vmem>>) dst(%dma_wait3A_424 : memref<1024xf32, #tpu.memory_space<vmem_shared>>)
      %dma_wait3A_425 = arith.constant 10 : i32
      %dma_wait3A_426 = arith.constant 10 : i32
      %dma_wait3A_427 = arith.constant 0 : i32
      %dma_wait3A_428 = tpu.memref_slice %arg7[%dma_wait3A_425, %dma_wait3A_427] : memref<32x128xf32, #tpu.memory_space<vmem>> -> memref<1x128xf32, #tpu.memory_space<vmem>>
      %dma_wait3A_429 = tpu.memref_squeeze %dma_wait3A_428 : memref<1x128xf32, #tpu.memory_space<vmem>> -> memref<128xf32, #tpu.memory_space<vmem>>
      %dma_wait3A_430 = arith.constant 0 : i32
      %dma_wait3A_431 = tpu.memref_slice %arg8[%dma_wait3A_426, %dma_wait3A_430] : memref<32x128xi32, #tpu.memory_space<vmem>> -> memref<1x128xi32, #tpu.memory_space<vmem>>
      %dma_wait3A_432 = tpu.memref_squeeze %dma_wait3A_431 : memref<1x128xi32, #tpu.memory_space<vmem>> -> memref<128xi32, #tpu.memory_space<vmem>>
      %dma_wait3A_433 = arith.constant 0 : i32
      %dma_wait3A_434 = tpu.memref_slice %arg10[%dma_wait3A_433] : memref<1024xf32, #tpu.memory_space<vmem_shared>> -> memref<1024xf32, #tpu.memory_space<vmem_shared>>
      tpu.wait_indirect_dma semaphore(%arg13 : memref<!tpu.dma_semaphore, #tpu.memory_space<semaphore_mem>>) src(%dma_wait3A_429 : memref<128xf32, #tpu.memory_space<vmem>>) dst(%dma_wait3A_434 : memref<1024xf32, #tpu.memory_space<vmem_shared>>)
      %dma_wait3A_435 = arith.constant 11 : i32
      %dma_wait3A_436 = arith.constant 11 : i32
      %dma_wait3A_437 = arith.constant 0 : i32
      %dma_wait3A_438 = tpu.memref_slice %arg7[%dma_wait3A_435, %dma_wait3A_437] : memref<32x128xf32, #tpu.memory_space<vmem>> -> memref<1x128xf32, #tpu.memory_space<vmem>>
      %dma_wait3A_439 = tpu.memref_squeeze %dma_wait3A_438 : memref<1x128xf32, #tpu.memory_space<vmem>> -> memref<128xf32, #tpu.memory_space<vmem>>
      %dma_wait3A_440 = arith.constant 0 : i32
      %dma_wait3A_441 = tpu.memref_slice %arg8[%dma_wait3A_436, %dma_wait3A_440] : memref<32x128xi32, #tpu.memory_space<vmem>> -> memref<1x128xi32, #tpu.memory_space<vmem>>
      %dma_wait3A_442 = tpu.memref_squeeze %dma_wait3A_441 : memref<1x128xi32, #tpu.memory_space<vmem>> -> memref<128xi32, #tpu.memory_space<vmem>>
      %dma_wait3A_443 = arith.constant 0 : i32
      %dma_wait3A_444 = tpu.memref_slice %arg10[%dma_wait3A_443] : memref<1024xf32, #tpu.memory_space<vmem_shared>> -> memref<1024xf32, #tpu.memory_space<vmem_shared>>
      tpu.wait_indirect_dma semaphore(%arg13 : memref<!tpu.dma_semaphore, #tpu.memory_space<semaphore_mem>>) src(%dma_wait3A_439 : memref<128xf32, #tpu.memory_space<vmem>>) dst(%dma_wait3A_444 : memref<1024xf32, #tpu.memory_space<vmem_shared>>)
      %dma_wait3A_445 = arith.constant 12 : i32
      %dma_wait3A_446 = arith.constant 12 : i32
      %dma_wait3A_447 = arith.constant 0 : i32
      %dma_wait3A_448 = tpu.memref_slice %arg7[%dma_wait3A_445, %dma_wait3A_447] : memref<32x128xf32, #tpu.memory_space<vmem>> -> memref<1x128xf32, #tpu.memory_space<vmem>>
      %dma_wait3A_449 = tpu.memref_squeeze %dma_wait3A_448 : memref<1x128xf32, #tpu.memory_space<vmem>> -> memref<128xf32, #tpu.memory_space<vmem>>
      %dma_wait3A_450 = arith.constant 0 : i32
      %dma_wait3A_451 = tpu.memref_slice %arg8[%dma_wait3A_446, %dma_wait3A_450] : memref<32x128xi32, #tpu.memory_space<vmem>> -> memref<1x128xi32, #tpu.memory_space<vmem>>
      %dma_wait3A_452 = tpu.memref_squeeze %dma_wait3A_451 : memref<1x128xi32, #tpu.memory_space<vmem>> -> memref<128xi32, #tpu.memory_space<vmem>>
      %dma_wait3A_453 = arith.constant 0 : i32
      %dma_wait3A_454 = tpu.memref_slice %arg10[%dma_wait3A_453] : memref<1024xf32, #tpu.memory_space<vmem_shared>> -> memref<1024xf32, #tpu.memory_space<vmem_shared>>
      tpu.wait_indirect_dma semaphore(%arg13 : memref<!tpu.dma_semaphore, #tpu.memory_space<semaphore_mem>>) src(%dma_wait3A_449 : memref<128xf32, #tpu.memory_space<vmem>>) dst(%dma_wait3A_454 : memref<1024xf32, #tpu.memory_space<vmem_shared>>)
      %dma_wait3A_455 = arith.constant 13 : i32
      %dma_wait3A_456 = arith.constant 13 : i32
      %dma_wait3A_457 = arith.constant 0 : i32
      %dma_wait3A_458 = tpu.memref_slice %arg7[%dma_wait3A_455, %dma_wait3A_457] : memref<32x128xf32, #tpu.memory_space<vmem>> -> memref<1x128xf32, #tpu.memory_space<vmem>>
      %dma_wait3A_459 = tpu.memref_squeeze %dma_wait3A_458 : memref<1x128xf32, #tpu.memory_space<vmem>> -> memref<128xf32, #tpu.memory_space<vmem>>
      %dma_wait3A_460 = arith.constant 0 : i32
      %dma_wait3A_461 = tpu.memref_slice %arg8[%dma_wait3A_456, %dma_wait3A_460] : memref<32x128xi32, #tpu.memory_space<vmem>> -> memref<1x128xi32, #tpu.memory_space<vmem>>
      %dma_wait3A_462 = tpu.memref_squeeze %dma_wait3A_461 : memref<1x128xi32, #tpu.memory_space<vmem>> -> memref<128xi32, #tpu.memory_space<vmem>>
      %dma_wait3A_463 = arith.constant 0 : i32
      %dma_wait3A_464 = tpu.memref_slice %arg10[%dma_wait3A_463] : memref<1024xf32, #tpu.memory_space<vmem_shared>> -> memref<1024xf32, #tpu.memory_space<vmem_shared>>
      tpu.wait_indirect_dma semaphore(%arg13 : memref<!tpu.dma_semaphore, #tpu.memory_space<semaphore_mem>>) src(%dma_wait3A_459 : memref<128xf32, #tpu.memory_space<vmem>>) dst(%dma_wait3A_464 : memref<1024xf32, #tpu.memory_space<vmem_shared>>)
      %dma_wait3A_465 = arith.constant 14 : i32
      %dma_wait3A_466 = arith.constant 14 : i32
      %dma_wait3A_467 = arith.constant 0 : i32
      %dma_wait3A_468 = tpu.memref_slice %arg7[%dma_wait3A_465, %dma_wait3A_467] : memref<32x128xf32, #tpu.memory_space<vmem>> -> memref<1x128xf32, #tpu.memory_space<vmem>>
      %dma_wait3A_469 = tpu.memref_squeeze %dma_wait3A_468 : memref<1x128xf32, #tpu.memory_space<vmem>> -> memref<128xf32, #tpu.memory_space<vmem>>
      %dma_wait3A_470 = arith.constant 0 : i32
      %dma_wait3A_471 = tpu.memref_slice %arg8[%dma_wait3A_466, %dma_wait3A_470] : memref<32x128xi32, #tpu.memory_space<vmem>> -> memref<1x128xi32, #tpu.memory_space<vmem>>
      %dma_wait3A_472 = tpu.memref_squeeze %dma_wait3A_471 : memref<1x128xi32, #tpu.memory_space<vmem>> -> memref<128xi32, #tpu.memory_space<vmem>>
      %dma_wait3A_473 = arith.constant 0 : i32
      %dma_wait3A_474 = tpu.memref_slice %arg10[%dma_wait3A_473] : memref<1024xf32, #tpu.memory_space<vmem_shared>> -> memref<1024xf32, #tpu.memory_space<vmem_shared>>
      tpu.wait_indirect_dma semaphore(%arg13 : memref<!tpu.dma_semaphore, #tpu.memory_space<semaphore_mem>>) src(%dma_wait3A_469 : memref<128xf32, #tpu.memory_space<vmem>>) dst(%dma_wait3A_474 : memref<1024xf32, #tpu.memory_space<vmem_shared>>)
      %dma_wait3A_475 = arith.constant 15 : i32
      %dma_wait3A_476 = arith.constant 15 : i32
      %dma_wait3A_477 = arith.constant 0 : i32
      %dma_wait3A_478 = tpu.memref_slice %arg7[%dma_wait3A_475, %dma_wait3A_477] : memref<32x128xf32, #tpu.memory_space<vmem>> -> memref<1x128xf32, #tpu.memory_space<vmem>>
      %dma_wait3A_479 = tpu.memref_squeeze %dma_wait3A_478 : memref<1x128xf32, #tpu.memory_space<vmem>> -> memref<128xf32, #tpu.memory_space<vmem>>
      %dma_wait3A_480 = arith.constant 0 : i32
      %dma_wait3A_481 = tpu.memref_slice %arg8[%dma_wait3A_476, %dma_wait3A_480] : memref<32x128xi32, #tpu.memory_space<vmem>> -> memref<1x128xi32, #tpu.memory_space<vmem>>
      %dma_wait3A_482 = tpu.memref_squeeze %dma_wait3A_481 : memref<1x128xi32, #tpu.memory_space<vmem>> -> memref<128xi32, #tpu.memory_space<vmem>>
      %dma_wait3A_483 = arith.constant 0 : i32
      %dma_wait3A_484 = tpu.memref_slice %arg10[%dma_wait3A_483] : memref<1024xf32, #tpu.memory_space<vmem_shared>> -> memref<1024xf32, #tpu.memory_space<vmem_shared>>
      tpu.wait_indirect_dma semaphore(%arg13 : memref<!tpu.dma_semaphore, #tpu.memory_space<semaphore_mem>>) src(%dma_wait3A_479 : memref<128xf32, #tpu.memory_space<vmem>>) dst(%dma_wait3A_484 : memref<1024xf32, #tpu.memory_space<vmem_shared>>)
      %dma_wait3A_485 = arith.constant 16 : i32
      %dma_wait3A_486 = arith.constant 16 : i32
      %dma_wait3A_487 = arith.constant 0 : i32
      %dma_wait3A_488 = tpu.memref_slice %arg7[%dma_wait3A_485, %dma_wait3A_487] : memref<32x128xf32, #tpu.memory_space<vmem>> -> memref<1x128xf32, #tpu.memory_space<vmem>>
      %dma_wait3A_489 = tpu.memref_squeeze %dma_wait3A_488 : memref<1x128xf32, #tpu.memory_space<vmem>> -> memref<128xf32, #tpu.memory_space<vmem>>
      %dma_wait3A_490 = arith.constant 0 : i32
      %dma_wait3A_491 = tpu.memref_slice %arg8[%dma_wait3A_486, %dma_wait3A_490] : memref<32x128xi32, #tpu.memory_space<vmem>> -> memref<1x128xi32, #tpu.memory_space<vmem>>
      %dma_wait3A_492 = tpu.memref_squeeze %dma_wait3A_491 : memref<1x128xi32, #tpu.memory_space<vmem>> -> memref<128xi32, #tpu.memory_space<vmem>>
      %dma_wait3A_493 = arith.constant 0 : i32
      %dma_wait3A_494 = tpu.memref_slice %arg10[%dma_wait3A_493] : memref<1024xf32, #tpu.memory_space<vmem_shared>> -> memref<1024xf32, #tpu.memory_space<vmem_shared>>
      tpu.wait_indirect_dma semaphore(%arg13 : memref<!tpu.dma_semaphore, #tpu.memory_space<semaphore_mem>>) src(%dma_wait3A_489 : memref<128xf32, #tpu.memory_space<vmem>>) dst(%dma_wait3A_494 : memref<1024xf32, #tpu.memory_space<vmem_shared>>)
      %dma_wait3A_495 = arith.constant 17 : i32
      %dma_wait3A_496 = arith.constant 17 : i32
      %dma_wait3A_497 = arith.constant 0 : i32
      %dma_wait3A_498 = tpu.memref_slice %arg7[%dma_wait3A_495, %dma_wait3A_497] : memref<32x128xf32, #tpu.memory_space<vmem>> -> memref<1x128xf32, #tpu.memory_space<vmem>>
      %dma_wait3A_499 = tpu.memref_squeeze %dma_wait3A_498 : memref<1x128xf32, #tpu.memory_space<vmem>> -> memref<128xf32, #tpu.memory_space<vmem>>
      %dma_wait3A_500 = arith.constant 0 : i32
      %dma_wait3A_501 = tpu.memref_slice %arg8[%dma_wait3A_496, %dma_wait3A_500] : memref<32x128xi32, #tpu.memory_space<vmem>> -> memref<1x128xi32, #tpu.memory_space<vmem>>
      %dma_wait3A_502 = tpu.memref_squeeze %dma_wait3A_501 : memref<1x128xi32, #tpu.memory_space<vmem>> -> memref<128xi32, #tpu.memory_space<vmem>>
      %dma_wait3A_503 = arith.constant 0 : i32
      %dma_wait3A_504 = tpu.memref_slice %arg10[%dma_wait3A_503] : memref<1024xf32, #tpu.memory_space<vmem_shared>> -> memref<1024xf32, #tpu.memory_space<vmem_shared>>
      tpu.wait_indirect_dma semaphore(%arg13 : memref<!tpu.dma_semaphore, #tpu.memory_space<semaphore_mem>>) src(%dma_wait3A_499 : memref<128xf32, #tpu.memory_space<vmem>>) dst(%dma_wait3A_504 : memref<1024xf32, #tpu.memory_space<vmem_shared>>)
      %dma_wait3A_505 = arith.constant 18 : i32
      %dma_wait3A_506 = arith.constant 18 : i32
      %dma_wait3A_507 = arith.constant 0 : i32
      %dma_wait3A_508 = tpu.memref_slice %arg7[%dma_wait3A_505, %dma_wait3A_507] : memref<32x128xf32, #tpu.memory_space<vmem>> -> memref<1x128xf32, #tpu.memory_space<vmem>>
      %dma_wait3A_509 = tpu.memref_squeeze %dma_wait3A_508 : memref<1x128xf32, #tpu.memory_space<vmem>> -> memref<128xf32, #tpu.memory_space<vmem>>
      %dma_wait3A_510 = arith.constant 0 : i32
      %dma_wait3A_511 = tpu.memref_slice %arg8[%dma_wait3A_506, %dma_wait3A_510] : memref<32x128xi32, #tpu.memory_space<vmem>> -> memref<1x128xi32, #tpu.memory_space<vmem>>
      %dma_wait3A_512 = tpu.memref_squeeze %dma_wait3A_511 : memref<1x128xi32, #tpu.memory_space<vmem>> -> memref<128xi32, #tpu.memory_space<vmem>>
      %dma_wait3A_513 = arith.constant 0 : i32
      %dma_wait3A_514 = tpu.memref_slice %arg10[%dma_wait3A_513] : memref<1024xf32, #tpu.memory_space<vmem_shared>> -> memref<1024xf32, #tpu.memory_space<vmem_shared>>
      tpu.wait_indirect_dma semaphore(%arg13 : memref<!tpu.dma_semaphore, #tpu.memory_space<semaphore_mem>>) src(%dma_wait3A_509 : memref<128xf32, #tpu.memory_space<vmem>>) dst(%dma_wait3A_514 : memref<1024xf32, #tpu.memory_space<vmem_shared>>)
      %dma_wait3A_515 = arith.constant 19 : i32
      %dma_wait3A_516 = arith.constant 19 : i32
      %dma_wait3A_517 = arith.constant 0 : i32
      %dma_wait3A_518 = tpu.memref_slice %arg7[%dma_wait3A_515, %dma_wait3A_517] : memref<32x128xf32, #tpu.memory_space<vmem>> -> memref<1x128xf32, #tpu.memory_space<vmem>>
      %dma_wait3A_519 = tpu.memref_squeeze %dma_wait3A_518 : memref<1x128xf32, #tpu.memory_space<vmem>> -> memref<128xf32, #tpu.memory_space<vmem>>
      %dma_wait3A_520 = arith.constant 0 : i32
      %dma_wait3A_521 = tpu.memref_slice %arg8[%dma_wait3A_516, %dma_wait3A_520] : memref<32x128xi32, #tpu.memory_space<vmem>> -> memref<1x128xi32, #tpu.memory_space<vmem>>
      %dma_wait3A_522 = tpu.memref_squeeze %dma_wait3A_521 : memref<1x128xi32, #tpu.memory_space<vmem>> -> memref<128xi32, #tpu.memory_space<vmem>>
      %dma_wait3A_523 = arith.constant 0 : i32
      %dma_wait3A_524 = tpu.memref_slice %arg10[%dma_wait3A_523] : memref<1024xf32, #tpu.memory_space<vmem_shared>> -> memref<1024xf32, #tpu.memory_space<vmem_shared>>
      tpu.wait_indirect_dma semaphore(%arg13 : memref<!tpu.dma_semaphore, #tpu.memory_space<semaphore_mem>>) src(%dma_wait3A_519 : memref<128xf32, #tpu.memory_space<vmem>>) dst(%dma_wait3A_524 : memref<1024xf32, #tpu.memory_space<vmem_shared>>)
      %dma_wait3A_525 = arith.constant 20 : i32
      %dma_wait3A_526 = arith.constant 20 : i32
      %dma_wait3A_527 = arith.constant 0 : i32
      %dma_wait3A_528 = tpu.memref_slice %arg7[%dma_wait3A_525, %dma_wait3A_527] : memref<32x128xf32, #tpu.memory_space<vmem>> -> memref<1x128xf32, #tpu.memory_space<vmem>>
      %dma_wait3A_529 = tpu.memref_squeeze %dma_wait3A_528 : memref<1x128xf32, #tpu.memory_space<vmem>> -> memref<128xf32, #tpu.memory_space<vmem>>
      %dma_wait3A_530 = arith.constant 0 : i32
      %dma_wait3A_531 = tpu.memref_slice %arg8[%dma_wait3A_526, %dma_wait3A_530] : memref<32x128xi32, #tpu.memory_space<vmem>> -> memref<1x128xi32, #tpu.memory_space<vmem>>
      %dma_wait3A_532 = tpu.memref_squeeze %dma_wait3A_531 : memref<1x128xi32, #tpu.memory_space<vmem>> -> memref<128xi32, #tpu.memory_space<vmem>>
      %dma_wait3A_533 = arith.constant 0 : i32
      %dma_wait3A_534 = tpu.memref_slice %arg10[%dma_wait3A_533] : memref<1024xf32, #tpu.memory_space<vmem_shared>> -> memref<1024xf32, #tpu.memory_space<vmem_shared>>
      tpu.wait_indirect_dma semaphore(%arg13 : memref<!tpu.dma_semaphore, #tpu.memory_space<semaphore_mem>>) src(%dma_wait3A_529 : memref<128xf32, #tpu.memory_space<vmem>>) dst(%dma_wait3A_534 : memref<1024xf32, #tpu.memory_space<vmem_shared>>)
      %dma_wait3A_535 = arith.constant 21 : i32
      %dma_wait3A_536 = arith.constant 21 : i32
      %dma_wait3A_537 = arith.constant 0 : i32
      %dma_wait3A_538 = tpu.memref_slice %arg7[%dma_wait3A_535, %dma_wait3A_537] : memref<32x128xf32, #tpu.memory_space<vmem>> -> memref<1x128xf32, #tpu.memory_space<vmem>>
      %dma_wait3A_539 = tpu.memref_squeeze %dma_wait3A_538 : memref<1x128xf32, #tpu.memory_space<vmem>> -> memref<128xf32, #tpu.memory_space<vmem>>
      %dma_wait3A_540 = arith.constant 0 : i32
      %dma_wait3A_541 = tpu.memref_slice %arg8[%dma_wait3A_536, %dma_wait3A_540] : memref<32x128xi32, #tpu.memory_space<vmem>> -> memref<1x128xi32, #tpu.memory_space<vmem>>
      %dma_wait3A_542 = tpu.memref_squeeze %dma_wait3A_541 : memref<1x128xi32, #tpu.memory_space<vmem>> -> memref<128xi32, #tpu.memory_space<vmem>>
      %dma_wait3A_543 = arith.constant 0 : i32
      %dma_wait3A_544 = tpu.memref_slice %arg10[%dma_wait3A_543] : memref<1024xf32, #tpu.memory_space<vmem_shared>> -> memref<1024xf32, #tpu.memory_space<vmem_shared>>
      tpu.wait_indirect_dma semaphore(%arg13 : memref<!tpu.dma_semaphore, #tpu.memory_space<semaphore_mem>>) src(%dma_wait3A_539 : memref<128xf32, #tpu.memory_space<vmem>>) dst(%dma_wait3A_544 : memref<1024xf32, #tpu.memory_space<vmem_shared>>)
      %dma_wait3A_545 = arith.constant 22 : i32
      %dma_wait3A_546 = arith.constant 22 : i32
      %dma_wait3A_547 = arith.constant 0 : i32
      %dma_wait3A_548 = tpu.memref_slice %arg7[%dma_wait3A_545, %dma_wait3A_547] : memref<32x128xf32, #tpu.memory_space<vmem>> -> memref<1x128xf32, #tpu.memory_space<vmem>>
      %dma_wait3A_549 = tpu.memref_squeeze %dma_wait3A_548 : memref<1x128xf32, #tpu.memory_space<vmem>> -> memref<128xf32, #tpu.memory_space<vmem>>
      %dma_wait3A_550 = arith.constant 0 : i32
      %dma_wait3A_551 = tpu.memref_slice %arg8[%dma_wait3A_546, %dma_wait3A_550] : memref<32x128xi32, #tpu.memory_space<vmem>> -> memref<1x128xi32, #tpu.memory_space<vmem>>
      %dma_wait3A_552 = tpu.memref_squeeze %dma_wait3A_551 : memref<1x128xi32, #tpu.memory_space<vmem>> -> memref<128xi32, #tpu.memory_space<vmem>>
      %dma_wait3A_553 = arith.constant 0 : i32
      %dma_wait3A_554 = tpu.memref_slice %arg10[%dma_wait3A_553] : memref<1024xf32, #tpu.memory_space<vmem_shared>> -> memref<1024xf32, #tpu.memory_space<vmem_shared>>
      tpu.wait_indirect_dma semaphore(%arg13 : memref<!tpu.dma_semaphore, #tpu.memory_space<semaphore_mem>>) src(%dma_wait3A_549 : memref<128xf32, #tpu.memory_space<vmem>>) dst(%dma_wait3A_554 : memref<1024xf32, #tpu.memory_space<vmem_shared>>)
      %dma_wait3A_555 = arith.constant 23 : i32
      %dma_wait3A_556 = arith.constant 23 : i32
      %dma_wait3A_557 = arith.constant 0 : i32
      %dma_wait3A_558 = tpu.memref_slice %arg7[%dma_wait3A_555, %dma_wait3A_557] : memref<32x128xf32, #tpu.memory_space<vmem>> -> memref<1x128xf32, #tpu.memory_space<vmem>>
      %dma_wait3A_559 = tpu.memref_squeeze %dma_wait3A_558 : memref<1x128xf32, #tpu.memory_space<vmem>> -> memref<128xf32, #tpu.memory_space<vmem>>
      %dma_wait3A_560 = arith.constant 0 : i32
      %dma_wait3A_561 = tpu.memref_slice %arg8[%dma_wait3A_556, %dma_wait3A_560] : memref<32x128xi32, #tpu.memory_space<vmem>> -> memref<1x128xi32, #tpu.memory_space<vmem>>
      %dma_wait3A_562 = tpu.memref_squeeze %dma_wait3A_561 : memref<1x128xi32, #tpu.memory_space<vmem>> -> memref<128xi32, #tpu.memory_space<vmem>>
      %dma_wait3A_563 = arith.constant 0 : i32
      %dma_wait3A_564 = tpu.memref_slice %arg10[%dma_wait3A_563] : memref<1024xf32, #tpu.memory_space<vmem_shared>> -> memref<1024xf32, #tpu.memory_space<vmem_shared>>
      tpu.wait_indirect_dma semaphore(%arg13 : memref<!tpu.dma_semaphore, #tpu.memory_space<semaphore_mem>>) src(%dma_wait3A_559 : memref<128xf32, #tpu.memory_space<vmem>>) dst(%dma_wait3A_564 : memref<1024xf32, #tpu.memory_space<vmem_shared>>)
      %dma_wait3A_565 = arith.constant 24 : i32
      %dma_wait3A_566 = arith.constant 24 : i32
      %dma_wait3A_567 = arith.constant 0 : i32
      %dma_wait3A_568 = tpu.memref_slice %arg7[%dma_wait3A_565, %dma_wait3A_567] : memref<32x128xf32, #tpu.memory_space<vmem>> -> memref<1x128xf32, #tpu.memory_space<vmem>>
      %dma_wait3A_569 = tpu.memref_squeeze %dma_wait3A_568 : memref<1x128xf32, #tpu.memory_space<vmem>> -> memref<128xf32, #tpu.memory_space<vmem>>
      %dma_wait3A_570 = arith.constant 0 : i32
      %dma_wait3A_571 = tpu.memref_slice %arg8[%dma_wait3A_566, %dma_wait3A_570] : memref<32x128xi32, #tpu.memory_space<vmem>> -> memref<1x128xi32, #tpu.memory_space<vmem>>
      %dma_wait3A_572 = tpu.memref_squeeze %dma_wait3A_571 : memref<1x128xi32, #tpu.memory_space<vmem>> -> memref<128xi32, #tpu.memory_space<vmem>>
      %dma_wait3A_573 = arith.constant 0 : i32
      %dma_wait3A_574 = tpu.memref_slice %arg10[%dma_wait3A_573] : memref<1024xf32, #tpu.memory_space<vmem_shared>> -> memref<1024xf32, #tpu.memory_space<vmem_shared>>
      tpu.wait_indirect_dma semaphore(%arg13 : memref<!tpu.dma_semaphore, #tpu.memory_space<semaphore_mem>>) src(%dma_wait3A_569 : memref<128xf32, #tpu.memory_space<vmem>>) dst(%dma_wait3A_574 : memref<1024xf32, #tpu.memory_space<vmem_shared>>)
      %dma_wait3A_575 = arith.constant 25 : i32
      %dma_wait3A_576 = arith.constant 25 : i32
      %dma_wait3A_577 = arith.constant 0 : i32
      %dma_wait3A_578 = tpu.memref_slice %arg7[%dma_wait3A_575, %dma_wait3A_577] : memref<32x128xf32, #tpu.memory_space<vmem>> -> memref<1x128xf32, #tpu.memory_space<vmem>>
      %dma_wait3A_579 = tpu.memref_squeeze %dma_wait3A_578 : memref<1x128xf32, #tpu.memory_space<vmem>> -> memref<128xf32, #tpu.memory_space<vmem>>
      %dma_wait3A_580 = arith.constant 0 : i32
      %dma_wait3A_581 = tpu.memref_slice %arg8[%dma_wait3A_576, %dma_wait3A_580] : memref<32x128xi32, #tpu.memory_space<vmem>> -> memref<1x128xi32, #tpu.memory_space<vmem>>
      %dma_wait3A_582 = tpu.memref_squeeze %dma_wait3A_581 : memref<1x128xi32, #tpu.memory_space<vmem>> -> memref<128xi32, #tpu.memory_space<vmem>>
      %dma_wait3A_583 = arith.constant 0 : i32
      %dma_wait3A_584 = tpu.memref_slice %arg10[%dma_wait3A_583] : memref<1024xf32, #tpu.memory_space<vmem_shared>> -> memref<1024xf32, #tpu.memory_space<vmem_shared>>
      tpu.wait_indirect_dma semaphore(%arg13 : memref<!tpu.dma_semaphore, #tpu.memory_space<semaphore_mem>>) src(%dma_wait3A_579 : memref<128xf32, #tpu.memory_space<vmem>>) dst(%dma_wait3A_584 : memref<1024xf32, #tpu.memory_space<vmem_shared>>)
      %dma_wait3A_585 = arith.constant 26 : i32
      %dma_wait3A_586 = arith.constant 26 : i32
      %dma_wait3A_587 = arith.constant 0 : i32
      %dma_wait3A_588 = tpu.memref_slice %arg7[%dma_wait3A_585, %dma_wait3A_587] : memref<32x128xf32, #tpu.memory_space<vmem>> -> memref<1x128xf32, #tpu.memory_space<vmem>>
      %dma_wait3A_589 = tpu.memref_squeeze %dma_wait3A_588 : memref<1x128xf32, #tpu.memory_space<vmem>> -> memref<128xf32, #tpu.memory_space<vmem>>
      %dma_wait3A_590 = arith.constant 0 : i32
      %dma_wait3A_591 = tpu.memref_slice %arg8[%dma_wait3A_586, %dma_wait3A_590] : memref<32x128xi32, #tpu.memory_space<vmem>> -> memref<1x128xi32, #tpu.memory_space<vmem>>
      %dma_wait3A_592 = tpu.memref_squeeze %dma_wait3A_591 : memref<1x128xi32, #tpu.memory_space<vmem>> -> memref<128xi32, #tpu.memory_space<vmem>>
      %dma_wait3A_593 = arith.constant 0 : i32
      %dma_wait3A_594 = tpu.memref_slice %arg10[%dma_wait3A_593] : memref<1024xf32, #tpu.memory_space<vmem_shared>> -> memref<1024xf32, #tpu.memory_space<vmem_shared>>
      tpu.wait_indirect_dma semaphore(%arg13 : memref<!tpu.dma_semaphore, #tpu.memory_space<semaphore_mem>>) src(%dma_wait3A_589 : memref<128xf32, #tpu.memory_space<vmem>>) dst(%dma_wait3A_594 : memref<1024xf32, #tpu.memory_space<vmem_shared>>)
      %dma_wait3A_595 = arith.constant 27 : i32
      %dma_wait3A_596 = arith.constant 27 : i32
      %dma_wait3A_597 = arith.constant 0 : i32
      %dma_wait3A_598 = tpu.memref_slice %arg7[%dma_wait3A_595, %dma_wait3A_597] : memref<32x128xf32, #tpu.memory_space<vmem>> -> memref<1x128xf32, #tpu.memory_space<vmem>>
      %dma_wait3A_599 = tpu.memref_squeeze %dma_wait3A_598 : memref<1x128xf32, #tpu.memory_space<vmem>> -> memref<128xf32, #tpu.memory_space<vmem>>
      %dma_wait3A_600 = arith.constant 0 : i32
      %dma_wait3A_601 = tpu.memref_slice %arg8[%dma_wait3A_596, %dma_wait3A_600] : memref<32x128xi32, #tpu.memory_space<vmem>> -> memref<1x128xi32, #tpu.memory_space<vmem>>
      %dma_wait3A_602 = tpu.memref_squeeze %dma_wait3A_601 : memref<1x128xi32, #tpu.memory_space<vmem>> -> memref<128xi32, #tpu.memory_space<vmem>>
      %dma_wait3A_603 = arith.constant 0 : i32
      %dma_wait3A_604 = tpu.memref_slice %arg10[%dma_wait3A_603] : memref<1024xf32, #tpu.memory_space<vmem_shared>> -> memref<1024xf32, #tpu.memory_space<vmem_shared>>
      tpu.wait_indirect_dma semaphore(%arg13 : memref<!tpu.dma_semaphore, #tpu.memory_space<semaphore_mem>>) src(%dma_wait3A_599 : memref<128xf32, #tpu.memory_space<vmem>>) dst(%dma_wait3A_604 : memref<1024xf32, #tpu.memory_space<vmem_shared>>)
      %dma_wait3A_605 = arith.constant 28 : i32
      %dma_wait3A_606 = arith.constant 28 : i32
      %dma_wait3A_607 = arith.constant 0 : i32
      %dma_wait3A_608 = tpu.memref_slice %arg7[%dma_wait3A_605, %dma_wait3A_607] : memref<32x128xf32, #tpu.memory_space<vmem>> -> memref<1x128xf32, #tpu.memory_space<vmem>>
      %dma_wait3A_609 = tpu.memref_squeeze %dma_wait3A_608 : memref<1x128xf32, #tpu.memory_space<vmem>> -> memref<128xf32, #tpu.memory_space<vmem>>
      %dma_wait3A_610 = arith.constant 0 : i32
      %dma_wait3A_611 = tpu.memref_slice %arg8[%dma_wait3A_606, %dma_wait3A_610] : memref<32x128xi32, #tpu.memory_space<vmem>> -> memref<1x128xi32, #tpu.memory_space<vmem>>
      %dma_wait3A_612 = tpu.memref_squeeze %dma_wait3A_611 : memref<1x128xi32, #tpu.memory_space<vmem>> -> memref<128xi32, #tpu.memory_space<vmem>>
      %dma_wait3A_613 = arith.constant 0 : i32
      %dma_wait3A_614 = tpu.memref_slice %arg10[%dma_wait3A_613] : memref<1024xf32, #tpu.memory_space<vmem_shared>> -> memref<1024xf32, #tpu.memory_space<vmem_shared>>
      tpu.wait_indirect_dma semaphore(%arg13 : memref<!tpu.dma_semaphore, #tpu.memory_space<semaphore_mem>>) src(%dma_wait3A_609 : memref<128xf32, #tpu.memory_space<vmem>>) dst(%dma_wait3A_614 : memref<1024xf32, #tpu.memory_space<vmem_shared>>)
      %dma_wait3A_615 = arith.constant 29 : i32
      %dma_wait3A_616 = arith.constant 29 : i32
      %dma_wait3A_617 = arith.constant 0 : i32
      %dma_wait3A_618 = tpu.memref_slice %arg7[%dma_wait3A_615, %dma_wait3A_617] : memref<32x128xf32, #tpu.memory_space<vmem>> -> memref<1x128xf32, #tpu.memory_space<vmem>>
      %dma_wait3A_619 = tpu.memref_squeeze %dma_wait3A_618 : memref<1x128xf32, #tpu.memory_space<vmem>> -> memref<128xf32, #tpu.memory_space<vmem>>
      %dma_wait3A_620 = arith.constant 0 : i32
      %dma_wait3A_621 = tpu.memref_slice %arg8[%dma_wait3A_616, %dma_wait3A_620] : memref<32x128xi32, #tpu.memory_space<vmem>> -> memref<1x128xi32, #tpu.memory_space<vmem>>
      %dma_wait3A_622 = tpu.memref_squeeze %dma_wait3A_621 : memref<1x128xi32, #tpu.memory_space<vmem>> -> memref<128xi32, #tpu.memory_space<vmem>>
      %dma_wait3A_623 = arith.constant 0 : i32
      %dma_wait3A_624 = tpu.memref_slice %arg10[%dma_wait3A_623] : memref<1024xf32, #tpu.memory_space<vmem_shared>> -> memref<1024xf32, #tpu.memory_space<vmem_shared>>
      tpu.wait_indirect_dma semaphore(%arg13 : memref<!tpu.dma_semaphore, #tpu.memory_space<semaphore_mem>>) src(%dma_wait3A_619 : memref<128xf32, #tpu.memory_space<vmem>>) dst(%dma_wait3A_624 : memref<1024xf32, #tpu.memory_space<vmem_shared>>)
      %dma_wait3A_625 = arith.constant 30 : i32
      %dma_wait3A_626 = arith.constant 30 : i32
      %dma_wait3A_627 = arith.constant 0 : i32
      %dma_wait3A_628 = tpu.memref_slice %arg7[%dma_wait3A_625, %dma_wait3A_627] : memref<32x128xf32, #tpu.memory_space<vmem>> -> memref<1x128xf32, #tpu.memory_space<vmem>>
      %dma_wait3A_629 = tpu.memref_squeeze %dma_wait3A_628 : memref<1x128xf32, #tpu.memory_space<vmem>> -> memref<128xf32, #tpu.memory_space<vmem>>
      %dma_wait3A_630 = arith.constant 0 : i32
      %dma_wait3A_631 = tpu.memref_slice %arg8[%dma_wait3A_626, %dma_wait3A_630] : memref<32x128xi32, #tpu.memory_space<vmem>> -> memref<1x128xi32, #tpu.memory_space<vmem>>
      %dma_wait3A_632 = tpu.memref_squeeze %dma_wait3A_631 : memref<1x128xi32, #tpu.memory_space<vmem>> -> memref<128xi32, #tpu.memory_space<vmem>>
      %dma_wait3A_633 = arith.constant 0 : i32
      %dma_wait3A_634 = tpu.memref_slice %arg10[%dma_wait3A_633] : memref<1024xf32, #tpu.memory_space<vmem_shared>> -> memref<1024xf32, #tpu.memory_space<vmem_shared>>
      tpu.wait_indirect_dma semaphore(%arg13 : memref<!tpu.dma_semaphore, #tpu.memory_space<semaphore_mem>>) src(%dma_wait3A_629 : memref<128xf32, #tpu.memory_space<vmem>>) dst(%dma_wait3A_634 : memref<1024xf32, #tpu.memory_space<vmem_shared>>)
      %dma_wait3A_635 = arith.constant 31 : i32
      %dma_wait3A_636 = arith.constant 31 : i32
      %dma_wait3A_637 = arith.constant 0 : i32
      %dma_wait3A_638 = tpu.memref_slice %arg7[%dma_wait3A_635, %dma_wait3A_637] : memref<32x128xf32, #tpu.memory_space<vmem>> -> memref<1x128xf32, #tpu.memory_space<vmem>>
      %dma_wait3A_639 = tpu.memref_squeeze %dma_wait3A_638 : memref<1x128xf32, #tpu.memory_space<vmem>> -> memref<128xf32, #tpu.memory_space<vmem>>
      %dma_wait3A_640 = arith.constant 0 : i32
      %dma_wait3A_641 = tpu.memref_slice %arg8[%dma_wait3A_636, %dma_wait3A_640] : memref<32x128xi32, #tpu.memory_space<vmem>> -> memref<1x128xi32, #tpu.memory_space<vmem>>
      %dma_wait3A_642 = tpu.memref_squeeze %dma_wait3A_641 : memref<1x128xi32, #tpu.memory_space<vmem>> -> memref<128xi32, #tpu.memory_space<vmem>>
      %dma_wait3A_643 = arith.constant 0 : i32
      %dma_wait3A_644 = tpu.memref_slice %arg10[%dma_wait3A_643] : memref<1024xf32, #tpu.memory_space<vmem_shared>> -> memref<1024xf32, #tpu.memory_space<vmem_shared>>
      tpu.wait_indirect_dma semaphore(%arg13 : memref<!tpu.dma_semaphore, #tpu.memory_space<semaphore_mem>>) src(%dma_wait3A_639 : memref<128xf32, #tpu.memory_space<vmem>>) dst(%dma_wait3A_644 : memref<1024xf32, #tpu.memory_space<vmem_shared>>)
      %barrier3A_645 = arith.constant 0 : index
      tpu.barrier barrier_id(%barrier3A_645)
      %run_scoped3A = arith.constant 0 : i32
      "tpu.region"() ({
        %run_scoped3A_693 = tpu.sem_alloc : memref<!tpu.dma_semaphore, #tpu.memory_space<semaphore_mem>>
        %dma_start3A_694 = arith.constant 0 : i32
        %dma_start3A_695 = tpu.memref_slice %arg12[%run_scoped3A, %dma_start3A_694] : memref<2x16xf32, #tpu.memory_space<vmem>> -> memref<1x16xf32, #tpu.memory_space<vmem>>
        %dma_start3A_696 = tpu.memref_squeeze %dma_start3A_695 : memref<1x16xf32, #tpu.memory_space<vmem>> -> memref<16xf32, #tpu.memory_space<vmem>>
        %dma_start3A_697 = arith.constant 0 : i32
        %dma_start3A_698 = tpu.memref_slice %arg12[%run_scoped3A, %dma_start3A_697] : memref<2x16xf32, #tpu.memory_space<vmem>> -> memref<1x16xf32, #tpu.memory_space<vmem>>
        %dma_start3A_699 = tpu.memref_squeeze %dma_start3A_698 : memref<1x16xf32, #tpu.memory_space<vmem>> -> memref<16xf32, #tpu.memory_space<vmem>>
        tpu.enqueue_dma source(%arg4 : memref<16xf32, #tpu.memory_space<hbm>>) target(%dma_start3A_699 : memref<16xf32, #tpu.memory_space<vmem>>) target_semaphore(%run_scoped3A_693 : memref<!tpu.dma_semaphore, #tpu.memory_space<semaphore_mem>>)
        %dma_wait3A_700 = arith.constant 0 : i32
        %dma_wait3A_701 = tpu.memref_slice %arg12[%run_scoped3A, %dma_wait3A_700] : memref<2x16xf32, #tpu.memory_space<vmem>> -> memref<1x16xf32, #tpu.memory_space<vmem>>
        %dma_wait3A_702 = tpu.memref_squeeze %dma_wait3A_701 : memref<1x16xf32, #tpu.memory_space<vmem>> -> memref<16xf32, #tpu.memory_space<vmem>>
        %dma_wait3A_703 = arith.constant 0 : i32
        %dma_wait3A_704 = tpu.memref_slice %arg12[%run_scoped3A, %dma_wait3A_703] : memref<2x16xf32, #tpu.memory_space<vmem>> -> memref<1x16xf32, #tpu.memory_space<vmem>>
        %dma_wait3A_705 = tpu.memref_squeeze %dma_wait3A_704 : memref<1x16xf32, #tpu.memory_space<vmem>> -> memref<16xf32, #tpu.memory_space<vmem>>
        tpu.wait_dma2 semaphore(%run_scoped3A_693 : memref<!tpu.dma_semaphore, #tpu.memory_space<semaphore_mem>>) src(%arg4 : memref<16xf32, #tpu.memory_space<hbm>>) dst(%dma_wait3A_705 : memref<16xf32, #tpu.memory_space<vmem>>)
        tpu.yield
      }) : () -> ()
      %run_scoped3A_646 = arith.constant 1 : i32
      "tpu.region"() ({
        %run_scoped3A_693 = tpu.sem_alloc : memref<!tpu.dma_semaphore, #tpu.memory_space<semaphore_mem>>
        %dma_start3A_694 = arith.constant 0 : i32
        %dma_start3A_695 = tpu.memref_slice %arg12[%run_scoped3A_646, %dma_start3A_694] : memref<2x16xf32, #tpu.memory_space<vmem>> -> memref<1x16xf32, #tpu.memory_space<vmem>>
        %dma_start3A_696 = tpu.memref_squeeze %dma_start3A_695 : memref<1x16xf32, #tpu.memory_space<vmem>> -> memref<16xf32, #tpu.memory_space<vmem>>
        %dma_start3A_697 = arith.constant 0 : i32
        %dma_start3A_698 = tpu.memref_slice %arg12[%run_scoped3A_646, %dma_start3A_697] : memref<2x16xf32, #tpu.memory_space<vmem>> -> memref<1x16xf32, #tpu.memory_space<vmem>>
        %dma_start3A_699 = tpu.memref_squeeze %dma_start3A_698 : memref<1x16xf32, #tpu.memory_space<vmem>> -> memref<16xf32, #tpu.memory_space<vmem>>
        tpu.enqueue_dma source(%arg5 : memref<16xf32, #tpu.memory_space<hbm>>) target(%dma_start3A_699 : memref<16xf32, #tpu.memory_space<vmem>>) target_semaphore(%run_scoped3A_693 : memref<!tpu.dma_semaphore, #tpu.memory_space<semaphore_mem>>)
        %dma_wait3A_700 = arith.constant 0 : i32
        %dma_wait3A_701 = tpu.memref_slice %arg12[%run_scoped3A_646, %dma_wait3A_700] : memref<2x16xf32, #tpu.memory_space<vmem>> -> memref<1x16xf32, #tpu.memory_space<vmem>>
        %dma_wait3A_702 = tpu.memref_squeeze %dma_wait3A_701 : memref<1x16xf32, #tpu.memory_space<vmem>> -> memref<16xf32, #tpu.memory_space<vmem>>
        %dma_wait3A_703 = arith.constant 0 : i32
        %dma_wait3A_704 = tpu.memref_slice %arg12[%run_scoped3A_646, %dma_wait3A_703] : memref<2x16xf32, #tpu.memory_space<vmem>> -> memref<1x16xf32, #tpu.memory_space<vmem>>
        %dma_wait3A_705 = tpu.memref_squeeze %dma_wait3A_704 : memref<1x16xf32, #tpu.memory_space<vmem>> -> memref<16xf32, #tpu.memory_space<vmem>>
        tpu.wait_dma2 semaphore(%run_scoped3A_693 : memref<!tpu.dma_semaphore, #tpu.memory_space<semaphore_mem>>) src(%arg5 : memref<16xf32, #tpu.memory_space<hbm>>) dst(%dma_wait3A_705 : memref<16xf32, #tpu.memory_space<vmem>>)
        tpu.yield
      }) : () -> ()
      %mul3A = arith.constant 64 : i32
      %mul3A_647 = arith.muli %arg1, %mul3A : i32
      "tpu.region"() ({
        %run_scoped3A_693 = tpu.sem_alloc : memref<!tpu.dma_semaphore, #tpu.memory_space<semaphore_mem>>
        %dma_start3A_694 = tpu.memref_slice %arg10[%mul3A_647] : memref<1024xf32, #tpu.memory_space<vmem_shared>> -> memref<64xf32, #tpu.memory_space<vmem_shared>>
        %dma_start3A_695 = tpu.memref_slice %arg10[%mul3A_647] : memref<1024xf32, #tpu.memory_space<vmem_shared>> -> memref<64xf32, #tpu.memory_space<vmem_shared>>
        tpu.enqueue_dma source(%dma_start3A_695 : memref<64xf32, #tpu.memory_space<vmem_shared>>) target(%arg11 : memref<64xf32, #tpu.memory_space<vmem>>) target_semaphore(%run_scoped3A_693 : memref<!tpu.dma_semaphore, #tpu.memory_space<semaphore_mem>>)
        %dma_wait3A_696 = tpu.memref_slice %arg10[%mul3A_647] : memref<1024xf32, #tpu.memory_space<vmem_shared>> -> memref<64xf32, #tpu.memory_space<vmem_shared>>
        %dma_wait3A_697 = tpu.memref_slice %arg10[%mul3A_647] : memref<1024xf32, #tpu.memory_space<vmem_shared>> -> memref<64xf32, #tpu.memory_space<vmem_shared>>
        tpu.wait_dma2 semaphore(%run_scoped3A_693 : memref<!tpu.dma_semaphore, #tpu.memory_space<semaphore_mem>>) src(%dma_wait3A_697 : memref<64xf32, #tpu.memory_space<vmem_shared>>) dst(%arg11 : memref<64xf32, #tpu.memory_space<vmem>>)
        tpu.yield
      }) : () -> ()
      %get3A = arith.constant 0 : i32
      %get3A_648 = arith.index_cast %get3A : i32 to index
      %get3A_649 = arith.constant 0 : index
      %get3A_650 = tpu.vector_load %arg12[%get3A_648, %get3A_649] {strides = array<i32>} : memref<2x16xf32, #tpu.memory_space<vmem>>, vector<1x16xf32>,
      %get3A_651 = vector.shape_cast %get3A_650 : vector<1x16xf32> to vector<16xf32>
      %get3A_652 = arith.constant 1 : i32
      %get3A_653 = arith.index_cast %get3A_652 : i32 to index
      %get3A_654 = arith.constant 0 : index
      %get3A_655 = tpu.vector_load %arg12[%get3A_653, %get3A_654] {strides = array<i32>} : memref<2x16xf32, #tpu.memory_space<vmem>>, vector<1x16xf32>,
      %get3A_656 = vector.shape_cast %get3A_655 : vector<1x16xf32> to vector<16xf32>
      %get3A_657 = arith.constant 0 : index
      %get3A_658 = tpu.vector_load %arg11[%get3A_657] {strides = array<i32>} : memref<64xf32, #tpu.memory_space<vmem>>, vector<16xf32>,
      %get3A_659 = vector.shape_cast %get3A_658 : vector<16xf32> to vector<16xf32>
      %mul3A_660 = arith.mulf %get3A_659, %get3A_651 : vector<16xf32>
      %add3A = arith.addf %mul3A_660, %get3A_656 : vector<16xf32>
      %swap3A = arith.constant 0 : index
      %swap3A_661 = tpu.vector_load %arg11[%swap3A] {strides = array<i32>} : memref<64xf32, #tpu.memory_space<vmem>>, vector<16xf32>,
      %swap3A_662 = vector.shape_cast %swap3A_661 : vector<16xf32> to vector<16xf32>
      %swap3A_663 = vector.shape_cast %add3A : vector<16xf32> to vector<16xf32>
      tpu.vector_store %arg11[%swap3A], %swap3A_663 {strides = array<i32>} : memref<64xf32, #tpu.memory_space<vmem>>, vector<16xf32>,
      %get3A_664 = arith.constant 16 : index
      %get3A_665 = tpu.vector_load %arg11[%get3A_664] {strides = array<i32>} : memref<64xf32, #tpu.memory_space<vmem>>, vector<16xf32>,
      %get3A_666 = vector.shape_cast %get3A_665 : vector<16xf32> to vector<16xf32>
      %mul3A_667 = arith.mulf %get3A_666, %get3A_651 : vector<16xf32>
      %add3A_668 = arith.addf %mul3A_667, %get3A_656 : vector<16xf32>
      %swap3A_669 = arith.constant 16 : index
      %swap3A_670 = tpu.vector_load %arg11[%swap3A_669] {strides = array<i32>} : memref<64xf32, #tpu.memory_space<vmem>>, vector<16xf32>,
      %swap3A_671 = vector.shape_cast %swap3A_670 : vector<16xf32> to vector<16xf32>
      %swap3A_672 = vector.shape_cast %add3A_668 : vector<16xf32> to vector<16xf32>
      tpu.vector_store %arg11[%swap3A_669], %swap3A_672 {strides = array<i32>} : memref<64xf32, #tpu.memory_space<vmem>>, vector<16xf32>,
      %get3A_673 = arith.constant 32 : index
      %get3A_674 = tpu.vector_load %arg11[%get3A_673] {strides = array<i32>} : memref<64xf32, #tpu.memory_space<vmem>>, vector<16xf32>,
      %get3A_675 = vector.shape_cast %get3A_674 : vector<16xf32> to vector<16xf32>
      %mul3A_676 = arith.mulf %get3A_675, %get3A_651 : vector<16xf32>
      %add3A_677 = arith.addf %mul3A_676, %get3A_656 : vector<16xf32>
      %swap3A_678 = arith.constant 32 : index
      %swap3A_679 = tpu.vector_load %arg11[%swap3A_678] {strides = array<i32>} : memref<64xf32, #tpu.memory_space<vmem>>, vector<16xf32>,
      %swap3A_680 = vector.shape_cast %swap3A_679 : vector<16xf32> to vector<16xf32>
      %swap3A_681 = vector.shape_cast %add3A_677 : vector<16xf32> to vector<16xf32>
      tpu.vector_store %arg11[%swap3A_678], %swap3A_681 {strides = array<i32>} : memref<64xf32, #tpu.memory_space<vmem>>, vector<16xf32>,
      %get3A_682 = arith.constant 48 : index
      %get3A_683 = tpu.vector_load %arg11[%get3A_682] {strides = array<i32>} : memref<64xf32, #tpu.memory_space<vmem>>, vector<16xf32>,
      %get3A_684 = vector.shape_cast %get3A_683 : vector<16xf32> to vector<16xf32>
      %mul3A_685 = arith.mulf %get3A_684, %get3A_651 : vector<16xf32>
      %add3A_686 = arith.addf %mul3A_685, %get3A_656 : vector<16xf32>
      %swap3A_687 = arith.constant 48 : index
      %swap3A_688 = tpu.vector_load %arg11[%swap3A_687] {strides = array<i32>} : memref<64xf32, #tpu.memory_space<vmem>>, vector<16xf32>,
      %swap3A_689 = vector.shape_cast %swap3A_688 : vector<16xf32> to vector<16xf32>
      %swap3A_690 = vector.shape_cast %add3A_686 : vector<16xf32> to vector<16xf32>
      tpu.vector_store %arg11[%swap3A_687], %swap3A_690 {strides = array<i32>} : memref<64xf32, #tpu.memory_space<vmem>>, vector<16xf32>,
      %mul3A_691 = arith.constant 64 : i32
      %mul3A_692 = arith.muli %arg1, %mul3A_691 : i32
      "tpu.region"() ({
        %run_scoped3A_693 = tpu.sem_alloc : memref<!tpu.dma_semaphore, #tpu.memory_space<semaphore_mem>>
        %dma_start3A_694 = tpu.memref_slice %arg6[%mul3A_692] : memref<1024xf32, #tpu.memory_space<hbm>> -> memref<64xf32, #tpu.memory_space<hbm>>
        %dma_start3A_695 = tpu.memref_slice %arg6[%mul3A_692] : memref<1024xf32, #tpu.memory_space<hbm>> -> memref<64xf32, #tpu.memory_space<hbm>>
        tpu.enqueue_dma source(%arg11 : memref<64xf32, #tpu.memory_space<vmem>>) target(%dma_start3A_695 : memref<64xf32, #tpu.memory_space<hbm>>) target_semaphore(%run_scoped3A_693 : memref<!tpu.dma_semaphore, #tpu.memory_space<semaphore_mem>>)
        %dma_wait3A_696 = tpu.memref_slice %arg6[%mul3A_692] : memref<1024xf32, #tpu.memory_space<hbm>> -> memref<64xf32, #tpu.memory_space<hbm>>
        %dma_wait3A_697 = tpu.memref_slice %arg6[%mul3A_692] : memref<1024xf32, #tpu.memory_space<hbm>> -> memref<64xf32, #tpu.memory_space<hbm>>
        tpu.wait_dma2 semaphore(%run_scoped3A_693 : memref<!tpu.dma_semaphore, #tpu.memory_space<semaphore_mem>>) src(%arg11 : memref<64xf32, #tpu.memory_space<vmem>>) dst(%dma_wait3A_697 : memref<64xf32, #tpu.memory_space<hbm>>)
        tpu.yield
      }) : () -> ()
    } else {
    }
    return
  }
}

module attributes {stable_mosaic.version = 14 : i64} {
  func.func @_fold_body(%arg0: memref<128x1024xf32, #tpu.memory_space<vmem>>, %arg1: memref<1024x512xbf16, #tpu.memory_space<vmem>>, %arg2: memref<1x512xf32, #tpu.memory_space<vmem>>, %arg3: memref<128x512xbf16, #tpu.memory_space<vmem>>) attributes {dimension_semantics = [], scalar_prefetch = 0 : i64, scratch_operands = 0 : i64, tpu.core_type = #tpu.core_type<tc>} {
    %get3A = arith.constant 0 : index
    %get3A_0 = arith.constant 0 : index
    %get3A_1 = vector.load %arg0[%get3A, %get3A_0] : memref<128x1024xf32, #tpu.memory_space<vmem>>, vector<128x1024xf32>
    %convert_element_type3A = arith.truncf %get3A_1 : vector<128x1024xf32> to vector<128x1024xbf16>
    %get3A_2 = arith.constant 0 : index
    %get3A_3 = arith.constant 0 : index
    %get3A_4 = vector.load %arg1[%get3A_2, %get3A_3] : memref<1024x512xbf16, #tpu.memory_space<vmem>>, vector<1024x512xbf16>
    %dot_general3A = arith.constant dense<0.000000e+00> : vector<128x512xf32>
    %dot_general3A_5 = tpu.matmul %convert_element_type3A, %get3A_4, %dot_general3A {dimension_numbers = #tpu.dot_dimension_numbers<[1], [0], [0], [1], [0, 0, 1, 1], [], []>, transpose_lhs_hint = false} : vector<128x1024xbf16>, vector<1024x512xbf16>, vector<128x512xf32> -> vector<128x512xf32>
    %get3A_6 = arith.constant 0 : index
    %get3A_7 = arith.constant 0 : index
    %get3A_8 = vector.load %arg2[%get3A_6, %get3A_7] : memref<1x512xf32, #tpu.memory_space<vmem>>, vector<1x512xf32>
    %add3A = vector.broadcast %get3A_8 : vector<1x512xf32> to vector<128x512xf32>
    %add3A_9 = arith.addf %dot_general3A_5, %add3A : vector<128x512xf32>
    %convert_element_type3A_10 = arith.truncf %add3A_9 : vector<128x512xf32> to vector<128x512xbf16>
    %swap3A = arith.constant 0 : index
    %swap3A_11 = arith.constant 0 : index
    %swap3A_12 = vector.load %arg3[%swap3A, %swap3A_11] : memref<128x512xbf16, #tpu.memory_space<vmem>>, vector<128x512xbf16>
    tpu.vector_store %arg3[%swap3A, %swap3A_11], %convert_element_type3A_10 {strides = array<i32>} : memref<128x512xbf16, #tpu.memory_space<vmem>>, vector<128x512xbf16>,
    return
  }
}

module attributes {stable_mosaic.version = 14 : i64} {
  func.func @_mlp_body(%arg0: i32, %arg1: memref<2048x1xi32, #tpu.memory_space<vmem>>, %arg2: memref<2048x3xbf16, #tpu.memory_space<vmem>>, %arg3: memref<128x512xbf16, #tpu.memory_space<vmem>>, %arg4: memref<3x1024xbf16, #tpu.memory_space<vmem>>, %arg5: memref<1024x512xbf16, #tpu.memory_space<vmem>>, %arg6: memref<1x512xf32, #tpu.memory_space<vmem>>, %arg7: memref<1x1xf32, #tpu.memory_space<smem>>, %arg8: memref<2048x1xf32, #tpu.memory_space<vmem>>) attributes {dimension_semantics = [#tpu.dimension_semantics<arbitrary>], iteration_bounds = array<i64: 32>, scalar_prefetch = 0 : i64, scratch_operands = 0 : i64, tpu.core_type = #tpu.core_type<tc>, window_params = [{transform_indices = @transform_0, window_bounds = array<i64: 2048, 1>}, {transform_indices = @transform_1, window_bounds = array<i64: 2048, 3>}, {pipeline_mode = #tpu.pipeline_mode<synchronous>, transform_indices = @transform_2, window_bounds = array<i64: 128, 512>}, {pipeline_mode = #tpu.pipeline_mode<synchronous>, transform_indices = @transform_3, window_bounds = array<i64: 3, 1024>}, {pipeline_mode = #tpu.pipeline_mode<synchronous>, transform_indices = @transform_4, window_bounds = array<i64: 1024, 512>}, {pipeline_mode = #tpu.pipeline_mode<synchronous>, transform_indices = @transform_5, window_bounds = array<i64: 1, 512>}, {transform_indices = @transform_6, window_bounds = array<i64: 1, 1>}, {transform_indices = @transform_7, window_bounds = array<i64: 2048, 1>}]} {
    %get3A = arith.constant 0 : index
    %get3A_0 = arith.constant 0 : index
    %get3A_1 = vector.load %arg6[%get3A, %get3A_0] : memref<1x512xf32, #tpu.memory_space<vmem>>, vector<1x512xf32>
    %get3A_2 = arith.constant 0 : index
    %get3A_3 = arith.constant 0 : index
    %get3A_4 = vector.load %arg2[%get3A_2, %get3A_3] : memref<2048x3xbf16, #tpu.memory_space<vmem>>, vector<512x3xbf16>
    %get3A_5 = arith.constant 0 : index
    %get3A_6 = arith.constant 0 : index
    %get3A_7 = vector.load %arg4[%get3A_5, %get3A_6] : memref<3x1024xbf16, #tpu.memory_space<vmem>>, vector<3x1024xbf16>
    %dot_general3A = arith.constant dense<0.000000e+00> : vector<512x1024xf32>
    %dot_general3A_8 = tpu.matmul %get3A_4, %get3A_7, %dot_general3A {dimension_numbers = #tpu.dot_dimension_numbers<[1], [0], [0], [1], [0, 0, 1, 1], [], []>, transpose_lhs_hint = false} : vector<512x3xbf16>, vector<3x1024xbf16>, vector<512x1024xf32> -> vector<512x1024xf32>
    %get3A_9 = arith.constant 512 : index
    %get3A_10 = arith.constant 0 : index
    %get3A_11 = vector.load %arg2[%get3A_9, %get3A_10] : memref<2048x3xbf16, #tpu.memory_space<vmem>>, vector<512x3xbf16>
    %get3A_12 = arith.constant 0 : index
    %get3A_13 = arith.constant 0 : index
    %get3A_14 = vector.load %arg4[%get3A_12, %get3A_13] : memref<3x1024xbf16, #tpu.memory_space<vmem>>, vector<3x1024xbf16>
    %dot_general3A_15 = arith.constant dense<0.000000e+00> : vector<512x1024xf32>
    %dot_general3A_16 = tpu.matmul %get3A_11, %get3A_14, %dot_general3A_15 {dimension_numbers = #tpu.dot_dimension_numbers<[1], [0], [0], [1], [0, 0, 1, 1], [], []>, transpose_lhs_hint = false} : vector<512x3xbf16>, vector<3x1024xbf16>, vector<512x1024xf32> -> vector<512x1024xf32>
    %get3A_17 = arith.constant 1024 : index
    %get3A_18 = arith.constant 0 : index
    %get3A_19 = vector.load %arg2[%get3A_17, %get3A_18] : memref<2048x3xbf16, #tpu.memory_space<vmem>>, vector<512x3xbf16>
    %get3A_20 = arith.constant 0 : index
    %get3A_21 = arith.constant 0 : index
    %get3A_22 = vector.load %arg4[%get3A_20, %get3A_21] : memref<3x1024xbf16, #tpu.memory_space<vmem>>, vector<3x1024xbf16>
    %dot_general3A_23 = arith.constant dense<0.000000e+00> : vector<512x1024xf32>
    %dot_general3A_24 = tpu.matmul %get3A_19, %get3A_22, %dot_general3A_23 {dimension_numbers = #tpu.dot_dimension_numbers<[1], [0], [0], [1], [0, 0, 1, 1], [], []>, transpose_lhs_hint = false} : vector<512x3xbf16>, vector<3x1024xbf16>, vector<512x1024xf32> -> vector<512x1024xf32>
    %get3A_25 = arith.constant 1536 : index
    %get3A_26 = arith.constant 0 : index
    %get3A_27 = vector.load %arg2[%get3A_25, %get3A_26] : memref<2048x3xbf16, #tpu.memory_space<vmem>>, vector<512x3xbf16>
    %get3A_28 = arith.constant 0 : index
    %get3A_29 = arith.constant 0 : index
    %get3A_30 = vector.load %arg4[%get3A_28, %get3A_29] : memref<3x1024xbf16, #tpu.memory_space<vmem>>, vector<3x1024xbf16>
    %dot_general3A_31 = arith.constant dense<0.000000e+00> : vector<512x1024xf32>
    %dot_general3A_32 = tpu.matmul %get3A_27, %get3A_30, %dot_general3A_31 {dimension_numbers = #tpu.dot_dimension_numbers<[1], [0], [0], [1], [0, 0, 1, 1], [], []>, transpose_lhs_hint = false} : vector<512x3xbf16>, vector<3x1024xbf16>, vector<512x1024xf32> -> vector<512x1024xf32>
    %tanh3A = math.tanh %dot_general3A_8 : vector<512x1024xf32>
    %convert_element_type3A = arith.truncf %tanh3A : vector<512x1024xf32> to vector<512x1024xbf16>
    %tanh3A_33 = math.tanh %dot_general3A_16 : vector<512x1024xf32>
    %convert_element_type3A_34 = arith.truncf %tanh3A_33 : vector<512x1024xf32> to vector<512x1024xbf16>
    %tanh3A_35 = math.tanh %dot_general3A_24 : vector<512x1024xf32>
    %convert_element_type3A_36 = arith.truncf %tanh3A_35 : vector<512x1024xf32> to vector<512x1024xbf16>
    %tanh3A_37 = math.tanh %dot_general3A_32 : vector<512x1024xf32>
    %convert_element_type3A_38 = arith.truncf %tanh3A_37 : vector<512x1024xf32> to vector<512x1024xbf16>
    %get3A_39 = arith.constant 0 : index
    %get3A_40 = arith.constant 0 : index
    %get3A_41 = vector.load %arg1[%get3A_39, %get3A_40] : memref<2048x1xi32, #tpu.memory_space<vmem>>, vector<512x1xi32>
    %iota3A = tpu.iota {dimensions = array<i32: 1>} : vector<512x128xi32>
    %eq3A = vector.broadcast %get3A_41 : vector<512x1xi32> to vector<512x128xi32>
    %eq3A_42 = arith.cmpi eq, %eq3A, %iota3A : vector<512x128xi32>
    %convert_element_type3A_43 = arith.extui %eq3A_42 : vector<512x128xi1> to vector<512x128xi32>
    %convert_element_type3A_44 = arith.sitofp %convert_element_type3A_43 : vector<512x128xi32> to vector<512x128xf32>
    %convert_element_type3A_45 = arith.truncf %convert_element_type3A_44 : vector<512x128xf32> to vector<512x128xbf16>
    %get3A_46 = arith.constant 0 : index
    %get3A_47 = arith.constant 0 : index
    %get3A_48 = vector.load %arg3[%get3A_46, %get3A_47] : memref<128x512xbf16, #tpu.memory_space<vmem>>, vector<128x512xbf16>
    %dot_general3A_49 = arith.constant dense<0.000000e+00> : vector<512x512xf32>
    %dot_general3A_50 = tpu.matmul %convert_element_type3A_45, %get3A_48, %dot_general3A_49 {dimension_numbers = #tpu.dot_dimension_numbers<[1], [0], [0], [1], [0, 0, 1, 1], [], []>, transpose_lhs_hint = false} : vector<512x128xbf16>, vector<128x512xbf16>, vector<512x512xf32> -> vector<512x512xf32>
    %get3A_51 = arith.constant 0 : index
    %get3A_52 = arith.constant 0 : index
    %get3A_53 = vector.load %arg5[%get3A_51, %get3A_52] : memref<1024x512xbf16, #tpu.memory_space<vmem>>, vector<1024x512xbf16>
    %dot_general3A_54 = arith.constant dense<0.000000e+00> : vector<512x512xf32>
    %dot_general3A_55 = tpu.matmul %convert_element_type3A, %get3A_53, %dot_general3A_54 {dimension_numbers = #tpu.dot_dimension_numbers<[1], [0], [0], [1], [0, 0, 1, 1], [], []>, transpose_lhs_hint = false} : vector<512x1024xbf16>, vector<1024x512xbf16>, vector<512x512xf32> -> vector<512x512xf32>
    %add3A = arith.addf %dot_general3A_50, %dot_general3A_55 : vector<512x512xf32>
    %get3A_56 = arith.constant 512 : index
    %get3A_57 = arith.constant 0 : index
    %get3A_58 = vector.load %arg1[%get3A_56, %get3A_57] : memref<2048x1xi32, #tpu.memory_space<vmem>>, vector<512x1xi32>
    %iota3A_59 = tpu.iota {dimensions = array<i32: 1>} : vector<512x128xi32>
    %eq3A_60 = vector.broadcast %get3A_58 : vector<512x1xi32> to vector<512x128xi32>
    %eq3A_61 = arith.cmpi eq, %eq3A_60, %iota3A_59 : vector<512x128xi32>
    %convert_element_type3A_62 = arith.extui %eq3A_61 : vector<512x128xi1> to vector<512x128xi32>
    %convert_element_type3A_63 = arith.sitofp %convert_element_type3A_62 : vector<512x128xi32> to vector<512x128xf32>
    %convert_element_type3A_64 = arith.truncf %convert_element_type3A_63 : vector<512x128xf32> to vector<512x128xbf16>
    %get3A_65 = arith.constant 0 : index
    %get3A_66 = arith.constant 0 : index
    %get3A_67 = vector.load %arg3[%get3A_65, %get3A_66] : memref<128x512xbf16, #tpu.memory_space<vmem>>, vector<128x512xbf16>
    %dot_general3A_68 = arith.constant dense<0.000000e+00> : vector<512x512xf32>
    %dot_general3A_69 = tpu.matmul %convert_element_type3A_64, %get3A_67, %dot_general3A_68 {dimension_numbers = #tpu.dot_dimension_numbers<[1], [0], [0], [1], [0, 0, 1, 1], [], []>, transpose_lhs_hint = false} : vector<512x128xbf16>, vector<128x512xbf16>, vector<512x512xf32> -> vector<512x512xf32>
    %get3A_70 = arith.constant 0 : index
    %get3A_71 = arith.constant 0 : index
    %get3A_72 = vector.load %arg5[%get3A_70, %get3A_71] : memref<1024x512xbf16, #tpu.memory_space<vmem>>, vector<1024x512xbf16>
    %dot_general3A_73 = arith.constant dense<0.000000e+00> : vector<512x512xf32>
    %dot_general3A_74 = tpu.matmul %convert_element_type3A_34, %get3A_72, %dot_general3A_73 {dimension_numbers = #tpu.dot_dimension_numbers<[1], [0], [0], [1], [0, 0, 1, 1], [], []>, transpose_lhs_hint = false} : vector<512x1024xbf16>, vector<1024x512xbf16>, vector<512x512xf32> -> vector<512x512xf32>
    %add3A_75 = arith.addf %dot_general3A_69, %dot_general3A_74 : vector<512x512xf32>
    %mul3A = arith.constant 5.000000e-01 : f32
    %mul3A_76 = vector.broadcast %mul3A : f32 to vector<512x512xf32>
    %mul3A_77 = arith.mulf %mul3A_76, %add3A : vector<512x512xf32>
    %tanh3A_78 = math.tanh %mul3A_77 : vector<512x512xf32>
    %mul3A_79 = arith.constant 5.000000e-01 : f32
    %mul3A_80 = vector.broadcast %mul3A_79 : f32 to vector<512x512xf32>
    %mul3A_81 = arith.mulf %mul3A_80, %tanh3A_78 : vector<512x512xf32>
    %add3A_82 = arith.constant 5.000000e-01 : f32
    %add3A_83 = vector.broadcast %add3A_82 : f32 to vector<512x512xf32>
    %add3A_84 = arith.addf %mul3A_81, %add3A_83 : vector<512x512xf32>
    %mul3A_85 = arith.mulf %add3A, %add3A_84 : vector<512x512xf32>
    %mul3A_86 = vector.broadcast %get3A_1 : vector<1x512xf32> to vector<512x512xf32>
    %mul3A_87 = arith.mulf %mul3A_85, %mul3A_86 : vector<512x512xf32>
    %reduce_sum3A = arith.constant dense<0.000000e+00> : vector<512xf32>
    %reduce_sum3A_88 = vector.multi_reduction <add>, %mul3A_87, %reduce_sum3A [1] : vector<512x512xf32> to vector<512xf32>
    %broadcast_in_dim3A = vector.shape_cast %reduce_sum3A_88 : vector<512xf32> to vector<512x1xf32>
    %get3A_89 = arith.constant 0 : index
    %get3A_90 = arith.constant 0 : index
    %get3A_91 = memref.load %arg7[%get3A_89, %get3A_90] : memref<1x1xf32, #tpu.memory_space<smem>>
    %add3A_92 = vector.broadcast %get3A_91 : f32 to vector<512x1xf32>
    %add3A_93 = arith.addf %broadcast_in_dim3A, %add3A_92 : vector<512x1xf32>
    %swap3A = arith.constant 0 : index
    %swap3A_94 = arith.constant 0 : index
    %swap3A_95 = vector.load %arg8[%swap3A, %swap3A_94] : memref<2048x1xf32, #tpu.memory_space<vmem>>, vector<512x1xf32>
    tpu.vector_store %arg8[%swap3A, %swap3A_94], %add3A_93 {strides = array<i32>} : memref<2048x1xf32, #tpu.memory_space<vmem>>, vector<512x1xf32>,
    %get3A_96 = arith.constant 1024 : index
    %get3A_97 = arith.constant 0 : index
    %get3A_98 = vector.load %arg1[%get3A_96, %get3A_97] : memref<2048x1xi32, #tpu.memory_space<vmem>>, vector<512x1xi32>
    %iota3A_99 = tpu.iota {dimensions = array<i32: 1>} : vector<512x128xi32>
    %eq3A_100 = vector.broadcast %get3A_98 : vector<512x1xi32> to vector<512x128xi32>
    %eq3A_101 = arith.cmpi eq, %eq3A_100, %iota3A_99 : vector<512x128xi32>
    %convert_element_type3A_102 = arith.extui %eq3A_101 : vector<512x128xi1> to vector<512x128xi32>
    %convert_element_type3A_103 = arith.sitofp %convert_element_type3A_102 : vector<512x128xi32> to vector<512x128xf32>
    %convert_element_type3A_104 = arith.truncf %convert_element_type3A_103 : vector<512x128xf32> to vector<512x128xbf16>
    %get3A_105 = arith.constant 0 : index
    %get3A_106 = arith.constant 0 : index
    %get3A_107 = vector.load %arg3[%get3A_105, %get3A_106] : memref<128x512xbf16, #tpu.memory_space<vmem>>, vector<128x512xbf16>
    %dot_general3A_108 = arith.constant dense<0.000000e+00> : vector<512x512xf32>
    %dot_general3A_109 = tpu.matmul %convert_element_type3A_104, %get3A_107, %dot_general3A_108 {dimension_numbers = #tpu.dot_dimension_numbers<[1], [0], [0], [1], [0, 0, 1, 1], [], []>, transpose_lhs_hint = false} : vector<512x128xbf16>, vector<128x512xbf16>, vector<512x512xf32> -> vector<512x512xf32>
    %get3A_110 = arith.constant 0 : index
    %get3A_111 = arith.constant 0 : index
    %get3A_112 = vector.load %arg5[%get3A_110, %get3A_111] : memref<1024x512xbf16, #tpu.memory_space<vmem>>, vector<1024x512xbf16>
    %dot_general3A_113 = arith.constant dense<0.000000e+00> : vector<512x512xf32>
    %dot_general3A_114 = tpu.matmul %convert_element_type3A_36, %get3A_112, %dot_general3A_113 {dimension_numbers = #tpu.dot_dimension_numbers<[1], [0], [0], [1], [0, 0, 1, 1], [], []>, transpose_lhs_hint = false} : vector<512x1024xbf16>, vector<1024x512xbf16>, vector<512x512xf32> -> vector<512x512xf32>
    %add3A_115 = arith.addf %dot_general3A_109, %dot_general3A_114 : vector<512x512xf32>
    %mul3A_116 = arith.constant 5.000000e-01 : f32
    %mul3A_117 = vector.broadcast %mul3A_116 : f32 to vector<512x512xf32>
    %mul3A_118 = arith.mulf %mul3A_117, %add3A_75 : vector<512x512xf32>
    %tanh3A_119 = math.tanh %mul3A_118 : vector<512x512xf32>
    %mul3A_120 = arith.constant 5.000000e-01 : f32
    %mul3A_121 = vector.broadcast %mul3A_120 : f32 to vector<512x512xf32>
    %mul3A_122 = arith.mulf %mul3A_121, %tanh3A_119 : vector<512x512xf32>
    %add3A_123 = arith.constant 5.000000e-01 : f32
    %add3A_124 = vector.broadcast %add3A_123 : f32 to vector<512x512xf32>
    %add3A_125 = arith.addf %mul3A_122, %add3A_124 : vector<512x512xf32>
    %mul3A_126 = arith.mulf %add3A_75, %add3A_125 : vector<512x512xf32>
    %mul3A_127 = vector.broadcast %get3A_1 : vector<1x512xf32> to vector<512x512xf32>
    %mul3A_128 = arith.mulf %mul3A_126, %mul3A_127 : vector<512x512xf32>
    %reduce_sum3A_129 = arith.constant dense<0.000000e+00> : vector<512xf32>
    %reduce_sum3A_130 = vector.multi_reduction <add>, %mul3A_128, %reduce_sum3A_129 [1] : vector<512x512xf32> to vector<512xf32>
    %broadcast_in_dim3A_131 = vector.shape_cast %reduce_sum3A_130 : vector<512xf32> to vector<512x1xf32>
    %get3A_132 = arith.constant 0 : index
    %get3A_133 = arith.constant 0 : index
    %get3A_134 = memref.load %arg7[%get3A_132, %get3A_133] : memref<1x1xf32, #tpu.memory_space<smem>>
    %add3A_135 = vector.broadcast %get3A_134 : f32 to vector<512x1xf32>
    %add3A_136 = arith.addf %broadcast_in_dim3A_131, %add3A_135 : vector<512x1xf32>
    %swap3A_137 = arith.constant 512 : index
    %swap3A_138 = arith.constant 0 : index
    %swap3A_139 = vector.load %arg8[%swap3A_137, %swap3A_138] : memref<2048x1xf32, #tpu.memory_space<vmem>>, vector<512x1xf32>
    tpu.vector_store %arg8[%swap3A_137, %swap3A_138], %add3A_136 {strides = array<i32>} : memref<2048x1xf32, #tpu.memory_space<vmem>>, vector<512x1xf32>,
    %get3A_140 = arith.constant 1536 : index
    %get3A_141 = arith.constant 0 : index
    %get3A_142 = vector.load %arg1[%get3A_140, %get3A_141] : memref<2048x1xi32, #tpu.memory_space<vmem>>, vector<512x1xi32>
    %iota3A_143 = tpu.iota {dimensions = array<i32: 1>} : vector<512x128xi32>
    %eq3A_144 = vector.broadcast %get3A_142 : vector<512x1xi32> to vector<512x128xi32>
    %eq3A_145 = arith.cmpi eq, %eq3A_144, %iota3A_143 : vector<512x128xi32>
    %convert_element_type3A_146 = arith.extui %eq3A_145 : vector<512x128xi1> to vector<512x128xi32>
    %convert_element_type3A_147 = arith.sitofp %convert_element_type3A_146 : vector<512x128xi32> to vector<512x128xf32>
    %convert_element_type3A_148 = arith.truncf %convert_element_type3A_147 : vector<512x128xf32> to vector<512x128xbf16>
    %get3A_149 = arith.constant 0 : index
    %get3A_150 = arith.constant 0 : index
    %get3A_151 = vector.load %arg3[%get3A_149, %get3A_150] : memref<128x512xbf16, #tpu.memory_space<vmem>>, vector<128x512xbf16>
    %dot_general3A_152 = arith.constant dense<0.000000e+00> : vector<512x512xf32>
    %dot_general3A_153 = tpu.matmul %convert_element_type3A_148, %get3A_151, %dot_general3A_152 {dimension_numbers = #tpu.dot_dimension_numbers<[1], [0], [0], [1], [0, 0, 1, 1], [], []>, transpose_lhs_hint = false} : vector<512x128xbf16>, vector<128x512xbf16>, vector<512x512xf32> -> vector<512x512xf32>
    %get3A_154 = arith.constant 0 : index
    %get3A_155 = arith.constant 0 : index
    %get3A_156 = vector.load %arg5[%get3A_154, %get3A_155] : memref<1024x512xbf16, #tpu.memory_space<vmem>>, vector<1024x512xbf16>
    %dot_general3A_157 = arith.constant dense<0.000000e+00> : vector<512x512xf32>
    %dot_general3A_158 = tpu.matmul %convert_element_type3A_38, %get3A_156, %dot_general3A_157 {dimension_numbers = #tpu.dot_dimension_numbers<[1], [0], [0], [1], [0, 0, 1, 1], [], []>, transpose_lhs_hint = false} : vector<512x1024xbf16>, vector<1024x512xbf16>, vector<512x512xf32> -> vector<512x512xf32>
    %add3A_159 = arith.addf %dot_general3A_153, %dot_general3A_158 : vector<512x512xf32>
    %mul3A_160 = arith.constant 5.000000e-01 : f32
    %mul3A_161 = vector.broadcast %mul3A_160 : f32 to vector<512x512xf32>
    %mul3A_162 = arith.mulf %mul3A_161, %add3A_115 : vector<512x512xf32>
    %tanh3A_163 = math.tanh %mul3A_162 : vector<512x512xf32>
    %mul3A_164 = arith.constant 5.000000e-01 : f32
    %mul3A_165 = vector.broadcast %mul3A_164 : f32 to vector<512x512xf32>
    %mul3A_166 = arith.mulf %mul3A_165, %tanh3A_163 : vector<512x512xf32>
    %add3A_167 = arith.constant 5.000000e-01 : f32
    %add3A_168 = vector.broadcast %add3A_167 : f32 to vector<512x512xf32>
    %add3A_169 = arith.addf %mul3A_166, %add3A_168 : vector<512x512xf32>
    %mul3A_170 = arith.mulf %add3A_115, %add3A_169 : vector<512x512xf32>
    %mul3A_171 = vector.broadcast %get3A_1 : vector<1x512xf32> to vector<512x512xf32>
    %mul3A_172 = arith.mulf %mul3A_170, %mul3A_171 : vector<512x512xf32>
    %reduce_sum3A_173 = arith.constant dense<0.000000e+00> : vector<512xf32>
    %reduce_sum3A_174 = vector.multi_reduction <add>, %mul3A_172, %reduce_sum3A_173 [1] : vector<512x512xf32> to vector<512xf32>
    %broadcast_in_dim3A_175 = vector.shape_cast %reduce_sum3A_174 : vector<512xf32> to vector<512x1xf32>
    %get3A_176 = arith.constant 0 : index
    %get3A_177 = arith.constant 0 : index
    %get3A_178 = memref.load %arg7[%get3A_176, %get3A_177] : memref<1x1xf32, #tpu.memory_space<smem>>
    %add3A_179 = vector.broadcast %get3A_178 : f32 to vector<512x1xf32>
    %add3A_180 = arith.addf %broadcast_in_dim3A_175, %add3A_179 : vector<512x1xf32>
    %swap3A_181 = arith.constant 1024 : index
    %swap3A_182 = arith.constant 0 : index
    %swap3A_183 = vector.load %arg8[%swap3A_181, %swap3A_182] : memref<2048x1xf32, #tpu.memory_space<vmem>>, vector<512x1xf32>
    tpu.vector_store %arg8[%swap3A_181, %swap3A_182], %add3A_180 {strides = array<i32>} : memref<2048x1xf32, #tpu.memory_space<vmem>>, vector<512x1xf32>,
    %mul3A_184 = arith.constant 5.000000e-01 : f32
    %mul3A_185 = vector.broadcast %mul3A_184 : f32 to vector<512x512xf32>
    %mul3A_186 = arith.mulf %mul3A_185, %add3A_159 : vector<512x512xf32>
    %tanh3A_187 = math.tanh %mul3A_186 : vector<512x512xf32>
    %mul3A_188 = arith.constant 5.000000e-01 : f32
    %mul3A_189 = vector.broadcast %mul3A_188 : f32 to vector<512x512xf32>
    %mul3A_190 = arith.mulf %mul3A_189, %tanh3A_187 : vector<512x512xf32>
    %add3A_191 = arith.constant 5.000000e-01 : f32
    %add3A_192 = vector.broadcast %add3A_191 : f32 to vector<512x512xf32>
    %add3A_193 = arith.addf %mul3A_190, %add3A_192 : vector<512x512xf32>
    %mul3A_194 = arith.mulf %add3A_159, %add3A_193 : vector<512x512xf32>
    %mul3A_195 = vector.broadcast %get3A_1 : vector<1x512xf32> to vector<512x512xf32>
    %mul3A_196 = arith.mulf %mul3A_194, %mul3A_195 : vector<512x512xf32>
    %reduce_sum3A_197 = arith.constant dense<0.000000e+00> : vector<512xf32>
    %reduce_sum3A_198 = vector.multi_reduction <add>, %mul3A_196, %reduce_sum3A_197 [1] : vector<512x512xf32> to vector<512xf32>
    %broadcast_in_dim3A_199 = vector.shape_cast %reduce_sum3A_198 : vector<512xf32> to vector<512x1xf32>
    %get3A_200 = arith.constant 0 : index
    %get3A_201 = arith.constant 0 : index
    %get3A_202 = memref.load %arg7[%get3A_200, %get3A_201] : memref<1x1xf32, #tpu.memory_space<smem>>
    %add3A_203 = vector.broadcast %get3A_202 : f32 to vector<512x1xf32>
    %add3A_204 = arith.addf %broadcast_in_dim3A_199, %add3A_203 : vector<512x1xf32>
    %swap3A_205 = arith.constant 1536 : index
    %swap3A_206 = arith.constant 0 : index
    %swap3A_207 = vector.load %arg8[%swap3A_205, %swap3A_206] : memref<2048x1xf32, #tpu.memory_space<vmem>>, vector<512x1xf32>
    tpu.vector_store %arg8[%swap3A_205, %swap3A_206], %add3A_204 {strides = array<i32>} : memref<2048x1xf32, #tpu.memory_space<vmem>>, vector<512x1xf32>,
    return
  }
  func.func @transform_0(%arg0: i32) -> (i32, i32) {
    %c0_i32 = arith.constant 0 : i32
    %c0_i32_0 = arith.constant 0 : i32
    return %arg0, %c0_i32 : i32, i32
  }
  func.func @transform_1(%arg0: i32) -> (i32, i32) {
    %c0_i32 = arith.constant 0 : i32
    %c0_i32_0 = arith.constant 0 : i32
    return %arg0, %c0_i32 : i32, i32
  }
  func.func @transform_2(%arg0: i32) -> (i32, i32) {
    %c0_i32 = arith.constant 0 : i32
    %c0_i32_0 = arith.constant 0 : i32
    %c0_i32_1 = arith.constant 0 : i32
    return %c0_i32, %c0_i32_0 : i32, i32
  }
  func.func @transform_3(%arg0: i32) -> (i32, i32) {
    %c0_i32 = arith.constant 0 : i32
    %c0_i32_0 = arith.constant 0 : i32
    %c0_i32_1 = arith.constant 0 : i32
    return %c0_i32, %c0_i32_0 : i32, i32
  }
  func.func @transform_4(%arg0: i32) -> (i32, i32) {
    %c0_i32 = arith.constant 0 : i32
    %c0_i32_0 = arith.constant 0 : i32
    %c0_i32_1 = arith.constant 0 : i32
    return %c0_i32, %c0_i32_0 : i32, i32
  }
  func.func @transform_5(%arg0: i32) -> (i32, i32) {
    %c0_i32 = arith.constant 0 : i32
    %c0_i32_0 = arith.constant 0 : i32
    %c0_i32_1 = arith.constant 0 : i32
    return %c0_i32, %c0_i32_0 : i32, i32
  }
  func.func @transform_6(%arg0: i32) -> (i32, i32) {
    %c0_i32 = arith.constant 0 : i32
    %c0_i32_0 = arith.constant 0 : i32
    %c0_i32_1 = arith.constant 0 : i32
    return %c0_i32, %c0_i32_0 : i32, i32
  }
  func.func @transform_7(%arg0: i32) -> (i32, i32) {
    %c0_i32 = arith.constant 0 : i32
    %c0_i32_0 = arith.constant 0 : i32
    return %arg0, %c0_i32 : i32, i32
  }
}

</mosaic_0001>

<sc_bundles>
// kernel: kernel.5.cloned.1.call-start
scs
__scs_entry_jumppad:
0x0: {  	(pc) =	sbr.rel $0x88, $3  }
0x1: {  	(tag) =	ssettag $0x0;
	lr =	simm.s32 $0x1  }
0x2: {  	[smem:$0x3F96] =	sst lr;
	_ =	strace $0xD0000000  }
0x3: {  	_ = 	snop  }
0x4: {  	_ = 	snop  }
0x5: {  	_ = 	snop  }
0x6: {  	_ = 	snop  }
0x7: {  	_ = 	snop  }
__scs_overlays_trampoline_lowered:
0x8: {  	[smem:$0x3FA5] =	sst s0  }
0x9: {  	[smem:$0x3FA6] =	sst s1  }
0xa: {  	[smem:$0x3FA7] =	sst s2  }
0xb: {  	[smem:$0x3FA8] =	sst s3  }
0xc: {  	[smem:$0x3FA9] =	sst s4  }
0xd: {  	[smem:$0x3FAA] =	sst s5  }
0xe: {  	[smem:$0x3FAB] =	sst s6  }
0xf: {  	[smem:$0x3FAC] =	sst s7  }
0x10: {  	[smem:$0x3FAD] =	sst s8  }
0x11: {  	[smem:$0x3FAE] =	sst s9;
	s0 =	simm.s32 @!p0 $0x0  }
0x12: {  	s1 =	sld [smem:$0x3F94];
	s0 =	simm.s32 @p0 $0x1  }
0x13: {  	[smem:$0x3FAF] =	sst s0;
	s0 =	simm.s32 @!p1 $0x0  }
0x14: {  	s2 =	sld [smem:$0x3F93];
	s0 =	simm.s32 @p1 $0x1  }
0x15: {  	[smem:$0x3FB0] =	sst s0;
	s0 =	simm.s32 @!p2 $0x0  }
0x16: {  	s3 =	sld [smem:$0x3FDB];
	s0 =	simm.s32 @p2 $0x1  }
0x17: {  	s4 =	simm.s32 $0x1BF5;
	[smem:$0x3FB2] =	sst s0  }
0x18: {  	s0 =	sld [smem:$0x3F95];
	_ =	swait.ge [sflag:s4], $0x0  }
0x19: {  	s7 =	sld [smem:$0x3F96]  }
0x1a: {  	s8 =	sadd.s32 $0xFFFFE003, lr  }
0x1b: {  	s9 =	sadd.s32 $0xFFFFFEF7, lr;
	s5 =	simm.s32 $0xFFFFFFFF;
	p2 =	slt.u32 s8, $0xFFFFF086  }
0x1c: {  	p1 =	slt.u32 s9, $0xF7A;
	s5 =	simm.s32 @!p2 $0x0  }
0x1d: {  	s5 =	simm.s32 @p1 $0x1;
	p0 =	seq.s32 s7, s2  }
0x1e: {  	s7 =	smul.u32 @!p0 $0xF7A, s2;
	p2 =	seq.s32 @!p0 s5, $0x0  }
0x1f: {  	s9 =	smul.u32 $0xF7A, s1;
	s8 =	simm.s32 @!p0 $0x1BF5;
	p2 =	por !p2, p0  }
0x20: {  	[sflag:s8] =	ssyncset.s32 @!p0 $0xFFFFF086;
	s6 =	sadd.s32 @!p0 s3, s7;
	s7 =	simm.s32 @!p0 $0x108  }
0x21: {  	s3 =	sadd.s32 s3, s9;
	s6 =	sadd.s32 @!p0 $0x88, s6;
	s7 =	simm.s32 @p2 $0x1082  }
0x22: {  	[simem:s7], [sflag:s8] =	dma.local @!p0 [hbm:s6], $0xF7A  }
0x23: {  	s9 =	sor.u32 $0xD0000000, s2;
	s6 =	simm.s32 $0x108;
	_ =	swait.ge @!p0 [sflag:s8], $0x0  }
0x24: {  	s3 =	sadd.s32 $0x88, s3;
	s6 =	simm.s32 @!p1 $0x1082;
	[sflag:s4] =	ssyncset.s32 $0xFFFFF086  }
0x25: {  	[simem:s6], [sflag:s4] =	dma.local [hbm:s3], $0xF7A  }
0x26: {  	[smem:$0x3F96] =	sst s1;
	(tag) =	ssettag s2;
	_ =	strace s9  }
0x27: {  	s1 =	sld [smem:$0x3FA6]  }
0x28: {  	s2 =	sld [smem:$0x3FA7]  }
0x29: {  	s4 =	sld [smem:$0x3FA9]  }
0x2a: {  	p0 =	seq.s32 s5, $0x0;
	s5 =	sld [smem:$0x3FAA]  }
0x2b: {  	s6 =	sld [smem:$0x3FAB]  }
0x2c: {  	s7 =	sld [smem:$0x3FAC]  }
0x2d: {  	s3 =	simm.s32 $0x108;
	s8 =	sld [smem:$0x3FAD]  }
0x2e: {  	s3 =	simm.s32 @!p0 $0x1082;
	s9 =	sld [smem:$0x3FAE]  }
0x2f: {  	lr =	sadd.s32 s0, s3;
	s0 =	sld [smem:$0x3FA5]  }
0x30: {  	s3 =	sld [smem:$0x3FA8]  }
0x31: {  	[smem:$0x3FB1] =	sst s10  }
0x32: {  	s10 =	sld [smem:$0x3FAF];
	_ =	sdelay $0x3  }
0x33: {  	p0 =	seq.s32 s10, $0x1;
	s10 =	sld [smem:$0x3FB1];
	_ =	sdelay $0x3  }
0x34: {  	[smem:$0x3FB1] =	sst s10  }
0x35: {  	s10 =	sld [smem:$0x3FB0];
	_ =	sdelay $0x3  }
0x36: {  	p1 =	seq.s32 s10, $0x1;
	s10 =	sld [smem:$0x3FB1];
	_ =	sdelay $0x3  }
0x37: {  	[smem:$0x3FB1] =	sst s10  }
0x38: {  	s10 =	sld [smem:$0x3FB2]  }
0x39: {  	_ = 	snop;
	(pc) =	sbr.ind lr, $3  }
0x3a: {  	_ = 	snop  }
0x3b: {  	_ = 	snop  }
0x3c: {  	p2 =	seq.s32 s10, $0x1;
	s10 =	sld [smem:$0x3FB1]  }
0x3d: {  	_ =	shalt  }
0x3e: {  	_ =	shalt  }
0x3f: {  	_ =	shalt  }
0x40: {  	_ =	shalt  }
0x41: {  	_ =	shalt  }
0x42: {  	_ =	shalt  }
0x43: {  	_ =	shalt  }
0x44: {  	_ =	shalt  }
0x45: {  	_ =	shalt  }
0x46: {  	_ =	shalt  }
0x47: {  	_ =	shalt  }
0x48: {  	_ =	shalt  }
0x49: {  	_ =	shalt  }
0x4a: {  	_ =	shalt  }
0x4b: {  	_ =	shalt  }
0x4c: {  	_ =	shalt  }
0x4d: {  	_ =	shalt  }
0x4e: {  	_ =	shalt  }
0x4f: {  	_ =	shalt  }
0x50: {  	_ =	shalt  }
0x51: {  	_ =	shalt  }
0x52: {  	_ =	shalt  }
0x53: {  	_ =	shalt  }
0x54: {  	_ =	shalt  }
0x55: {  	_ =	shalt  }
0x56: {  	_ =	shalt  }
0x57: {  	_ =	shalt  }
0x58: {  	_ =	shalt  }
0x59: {  	_ =	shalt  }
0x5a: {  	_ =	shalt  }
0x5b: {  	_ =	shalt  }
0x5c: {  	_ =	shalt  }
0x5d: {  	_ =	shalt  }
0x5e: {  	_ =	shalt  }
0x5f: {  	_ =	shalt  }
0x60: {  	_ =	shalt  }
0x61: {  	_ =	shalt  }
0x62: {  	_ =	shalt  }
0x63: {  	_ =	shalt  }
0x64: {  	_ =	shalt  }
0x65: {  	_ =	shalt  }
0x66: {  	_ =	shalt  }
0x67: {  	_ =	shalt  }
0x68: {  	_ =	shalt  }
0x69: {  	_ =	shalt  }
0x6a: {  	_ =	shalt  }
0x6b: {  	_ =	shalt  }
0x6c: {  	_ =	shalt  }
0x6d: {  	_ =	shalt  }
0x6e: {  	_ =	shalt  }
0x6f: {  	_ =	shalt  }
0x70: {  	_ =	shalt  }
0x71: {  	_ =	shalt  }
0x72: {  	_ =	shalt  }
0x73: {  	_ =	shalt  }
0x74: {  	_ =	shalt  }
0x75: {  	_ =	shalt  }
0x76: {  	_ =	shalt  }
0x77: {  	_ =	shalt  }
0x78: {  	_ =	shalt  }
0x79: {  	_ =	shalt  }
0x7a: {  	_ =	shalt  }
0x7b: {  	_ =	shalt  }
0x7c: {  	_ =	shalt  }
0x7d: {  	_ =	shalt  }
0x7e: {  	_ =	shalt  }
0x7f: {  	_ =	shalt  }
0x80: {  	_ =	shalt  }
0x81: {  	_ =	shalt  }
0x82: {  	_ =	shalt  }
0x83: {  	_ =	shalt  }
0x84: {  	_ =	shalt  }
0x85: {  	_ =	shalt  }
0x86: {  	_ =	shalt  }
0x87: {  	_ =	shalt  }
.Lfunc_end0:
.L_simem_size_0:
called_computation_lowered:
.L_overlay_start_0:
0x88: {  	s2 =	sld [smem:$0x3FD9]  }
0x89: {  	s3 =	sld [smem:$0x3FFE];
	_ =	sdelay $0x1  }
0x8a: {  	s1 =	srdreg.scid  }
0x8b: {  	s0 =	sand.u32 $0x1, s1  }
0x8c: {  	s17 =	sshll.u32 s0, $0xA;
	s2 =	sadd.s32 s3, s2  }
0x8d: {  	s2 =	sadd.s32 s2, s17  }
0x8e: {  	[smem:$0x3FBD] =	sst s2  }
0x8f: {  	_ = 	snop  }
0x90: {  	s2 =	sld [smem:$0x3FC7]  }
0x91: {  	s18 =	sld [smem:$0x3FD0];
	(tm) =	ssettm $0x1  }
0x92: {  	s4 =	sld [smem:$0x3FFB];
	_ =	sdelay $0x3  }
0x93: {  	_ =	strace s4  }
0x94: {  	s4 =	sld [smem:$0x3FFC];
	_ =	sdelay $0x3  }
0x95: {  	_ =	strace s4  }
0x96: {  	s4 =	sld [smem:$0x3FFD];
	_ =	sdelay $0x3  }
0x97: {  	_ =	strace s4  }
0x98: {  	_ =	strace $0x8FFFFFFF  }
0x99: {  	s19 =	sld [smem:$0x3FDB];
	_ =	sdelay $0x1  }
0x9a: {  	s5 =	simm.s32 $_scs_section_size  }
0x9b: {  	s6 =	simm.s32 $_size__tile_overlayer_lowered;
	s7 =	simm.s32 $_tile_overlayer_lowered  }
0x9c: {  	s22 =	simm.s32 $0x1BFF;
	s21 =	sshll.u32 s7, $0x1;
	s4 =	sadd.s32 s5, s19  }
0x9d: {  	s8 =	simm.s32 $0x0;
	s20 =	sshll.u32 s6, $0x1;
	s6 =	sadd.s32 s21, s4  }
0x9e: {  	[timem:s8], [sflag:s22] =	dma.local [hbm:s6], s20  }
0x9f: {  	_ =	swait.ge [sflag:s22], s20  }
0xa0: {  	s5 =	ssub.s32 $0x0, s20;
	[sflag:s22] =	ssyncset.done $0x0  }
0xa1: {  	[sflag:s22] =	ssyncadd.s32 s5;
	_ =	sdelay $0x1  }
0xa2: {  	s23 =	simm.s32 $0x1B8B  }
0xa3: {  	_ =	swait.ge [sflag:s23], $0x1  }
0xa4: {  	[sflag:s23] =	ssyncset.done $0x0  }
0xa5: {  	s25 =	simm.s32 $0x1B8E;
	s24 =	sld [smem:$0x3FFE];
	[sflag:s23] =	ssyncadd.s32 $0xFFFFFFFF  }
0xa6: {  	s26 =	simm.s32 $execute0_lowered;
	[smem:$0x3FD2] =	sst s25  }
0xa7: {  	s6 =	sshll.u32 s26, $0x1;
	_ =	strace $0x80000046;
	[dreg:$0x1] =	wrdreg $0xFFFFFFFF  }
0xa8: {  	s28 =	simm.s32 $_size_execute0_lowered;
	s4 =	sadd.s32 s4, s6;
	[dreg:$0x0] =	wrdreg $0x0  }
0xa9: {  	s6 =	sshll.u32 s28, $0x1;
	[dreg:$0x2] =	wrdreg s4  }
0xaa: {  	[dreg:$0x3] =	wrdreg s6  }
0xab: {  	[dreg:$0x4] =	wrdreg $0xC0  }
0xac: {  	_ =	task [dreg:s8], $0x5FFFF  }
0xad: {  	[dreg:$0x1] =	wrdreg $0xFFFFFFFF  }
0xae: {  	[dreg:$0x0] =	wrdreg $0x60  }
0xaf: {  	[dreg:$0x2] =	wrdreg s24  }
0xb0: {  	[dreg:$0x3] =	wrdreg s2  }
0xb1: {  	[dreg:$0x4] =	wrdreg s18  }
0xb2: {  	[dreg:$0x5] =	wrdreg $0x24000  }
0xb3: {  	[dreg:$0x6] =	wrdreg $0x9  }
0xb4: {  	_ =	task.clear_ibuf [dreg:s8], $0x7FFFF;
	_ =	strace $0x90000046  }
0xb5: {  	s29 =	simm.s32 $0x9;
	_ =	strace $0x80000048  }
0xb6: {  	_ =	swait.ge [sflag:s29], $0x1  }
0xb7: {  	[sflag:s29] =	ssyncadd.s32 $0xFFFFFFFF  }
0xb8: {  	_ =	strace $0x90000048  }
0xb9: {  	_ =	sfence  }
0xba: {  	s30 =	sld [smem:$0x0];
	_ =	sdelay $0x2  }
0xbb: {  	s31 =	sshll.u32 s1, $0xD;
	s1 =	sshrl.u32 s1, $0x2  }
0xbc: {  	s3 =	sand.u32 $0x4000, s31;
	s1 =	sadd.s32 s1, s30  }
0xbd: {  	s0 =	sor.u32 s3, s0;
	s1 =	sshll.u32 s1, $0x11  }
0xbe: {  	s0 =	sor.u32 s1, s0  }
0xbf: {  	s0 =	sadd.s32 $0x8F2B, s0  }
0xc0: {  	[sflag:s0] =	ssyncadd.remote.s32 $0x1  }
0xc1: {  	_ =	sfence.sel $0xFFFF  }
0xc2: {  	[dreg:$0x0] =	wrdreg $0xFFFFFFFF;
	(pc) =	sbr.abs _section_cstart, $3  }
0xc3: {  	[dreg:$0x1] =	wrdreg $0xFFFFFFFF  }
0xc4: {  	_ =	task.clear_ibuf [dreg:s8], $0x2FFFF;
	_ =	strace $0x9FFFFFFF  }
0xc5: {  	(tm) =	ssettm $0x7FFFFFFF  }
tec
execute0_lowered:
.L_overlay_start_1:
0x0: {  	(tag) =	ssettag $0x1  }
0x1: {  	s1 =	srdreg.scid  }
0x2: {  	s1 =	sand.u32 $0x1, s1  }
0x3: {  	s3 =	rddreg [dreg:$0x0];
	p1 =	seq.s32 s1, $0x1  }
.Ltmp0:
0x4: {  	s4 =	rddreg [dreg:$0x1];
	(pc) =	sbr.rel @p1 .LBB2_4-.Ltmp0, $4  }
0x5: {  	s2 =	rddreg [dreg:$0x2]  }
0x6: {  	s7 =	rddreg [dreg:$0x3];
	s5 =	simm.s32 $0x0  }
0x7: {  	s6 =	stileid.u32;
	[smem:$0x7FF] =	sst s5  }
0x8: {  	s0 =	rddreg [dreg:$0x4];
	p0 =	sne.s32 s6, $0x0;
	_ =	strace $0x80000047  }
0x9: {  	s1 =	sadd.s32 $0xC00, s3;
	s8 =	sshll.u32 s6, $0x9  }
0xa: {  	s1 =	sadd.s32 s1, s8  }
0xb: {  	[tilespmem:s5], [sflag:$0x2] =	stream.linear.gather [hbm4b:s1+s5], $0x1000, $0x38;
	[tilespmem:$0x25C0] =	vst v63  }
0xc: {  	s1 =	simm.s32 $0x2  }
0xd: {  	_ =	swait.ge [sflag:s1], $0x1000  }
0xe: {  	s9 =	simm.s32 $0x1000;
	[sflag:s1] =	ssyncset.done $0x0  }
.Ltmp1:
0xf: {  	s4 =	sadd.s32 s4, s8;
	[sflag:s1] =	ssyncadd.s32 $0xFFFFF000;
	(pc) =	sbr.rel @p0 .LBB2_3-.Ltmp1, $4  }
0x10: {  	[tilespmem:s9], [sflag:$0x2] =	stream.linear.gather [hbm4b:s4+s5], $0x1000, $0x38;
	[tilespmem:$0x25C0] =	vst v63  }
0x11: {  	s30 =	sshll.u32 s6, $0x6;
	s31 =	sshll.u32 s6, $0x3;
	_ =	swait.ge [sflag:s1], $0x1000  }
0x12: {  	s2 =	sadd.s32 s2, s31;
	s5 =	sadd.s32 $0x2C00, s3;
	[sflag:s1] =	ssyncset.done $0x0  }
0x13: {  	s3 =	sadd.s32 $0x2E00, s3;
	s4 =	sadd.s32 s30, s7;
	[sflag:s1] =	ssyncadd.s32 $0xFFFFF000  }
0x14: {  	v0 =	vimm.f32 $0.0e+00  }
0x15: {  	[tilespmem:$0x2000] =	vst v0  }
0x16: {  	[tilespmem:$0x2010] =	vst v0  }
0x17: {  	[tilespmem:$0x2020] =	vst v0  }
0x18: {  	[tilespmem:$0x2030] =	vst v0  }
0x19: {  	[tilespmem:$0x2040] =	vst v0  }
0x1a: {  	[tilespmem:$0x2050] =	vst v0  }
0x1b: {  	[tilespmem:$0x2060] =	vst v0  }
0x1c: {  	[tilespmem:$0x2070] =	vst v0  }
0x1d: {  	[tilespmem:$0x2080] =	vst v0  }
0x1e: {  	[tilespmem:$0x2090] =	vst v0  }
0x1f: {  	[tilespmem:$0x20A0] =	vst v0  }
0x20: {  	[tilespmem:$0x20B0] =	vst v0  }
0x21: {  	[tilespmem:$0x20C0] =	vst v0  }
0x22: {  	[tilespmem:$0x20D0] =	vst v0  }
0x23: {  	[tilespmem:$0x20E0] =	vst v0  }
0x24: {  	[tilespmem:$0x20F0] =	vst v0  }
0x25: {  	[tilespmem:$0x2100] =	vst v0  }
0x26: {  	[tilespmem:$0x2110] =	vst v0  }
0x27: {  	[tilespmem:$0x2120] =	vst v0  }
0x28: {  	[tilespmem:$0x2130] =	vst v0  }
0x29: {  	[tilespmem:$0x2140] =	vst v0  }
0x2a: {  	[tilespmem:$0x2150] =	vst v0  }
0x2b: {  	[tilespmem:$0x2160] =	vst v0  }
0x2c: {  	[tilespmem:$0x2170] =	vst v0  }
0x2d: {  	[tilespmem:$0x2180] =	vst v0  }
0x2e: {  	[tilespmem:$0x2190] =	vst v0  }
0x2f: {  	[tilespmem:$0x21A0] =	vst v0  }
0x30: {  	[tilespmem:$0x21B0] =	vst v0  }
0x31: {  	[tilespmem:$0x21C0] =	vst v0  }
0x32: {  	[tilespmem:$0x21D0] =	vst v0  }
0x33: {  	[tilespmem:$0x21E0] =	vst v0  }
0x34: {  	[tilespmem:$0x21F0] =	vst v0  }
0x35: {  	[tilespmem:$0x2200] =	vst v0  }
0x36: {  	[tilespmem:$0x2210] =	vst v0  }
0x37: {  	[tilespmem:$0x2220] =	vst v0  }
0x38: {  	[tilespmem:$0x2230] =	vst v0  }
0x39: {  	[tilespmem:$0x2240] =	vst v0  }
0x3a: {  	[tilespmem:$0x2250] =	vst v0  }
0x3b: {  	[tilespmem:$0x2260] =	vst v0  }
0x3c: {  	[tilespmem:$0x2270] =	vst v0  }
0x3d: {  	[tilespmem:$0x2280] =	vst v0  }
0x3e: {  	[tilespmem:$0x2290] =	vst v0  }
0x3f: {  	[tilespmem:$0x22A0] =	vst v0  }
0x40: {  	[tilespmem:$0x22B0] =	vst v0  }
0x41: {  	[tilespmem:$0x22C0] =	vst v0  }
0x42: {  	[tilespmem:$0x22D0] =	vst v0  }
0x43: {  	[tilespmem:$0x22E0] =	vst v0  }
0x44: {  	[tilespmem:$0x22F0] =	vst v0  }
0x45: {  	[tilespmem:$0x2300] =	vst v0  }
0x46: {  	[tilespmem:$0x2310] =	vst v0  }
0x47: {  	[tilespmem:$0x2320] =	vst v0  }
0x48: {  	[tilespmem:$0x2330] =	vst v0  }
0x49: {  	[tilespmem:$0x2340] =	vst v0  }
0x4a: {  	[tilespmem:$0x2350] =	vst v0  }
0x4b: {  	[tilespmem:$0x2360] =	vst v0  }
0x4c: {  	[tilespmem:$0x2370] =	vst v0  }
0x4d: {  	[tilespmem:$0x2380] =	vst v0  }
0x4e: {  	[tilespmem:$0x2390] =	vst v0  }
0x4f: {  	[tilespmem:$0x23A0] =	vst v0  }
0x50: {  	[tilespmem:$0x23B0] =	vst v0  }
0x51: {  	[tilespmem:$0x23C0] =	vst v0  }
0x52: {  	[tilespmem:$0x23D0] =	vst v0  }
0x53: {  	[tilespmem:$0x23E0] =	vst v0  }
0x54: {  	s6 =	simm.s32 $0x2000;
	[tilespmem:$0x23F0] =	vst v0  }
0x55: {  	[spmem:s7] =	stream.linear.scatter [tilespmem:s6], [sflag:$0x2], $0x400, $0x38;
	[tilespmem:$0x25C0] =	vst v63  }
0x56: {  	_ =	swait.ge [sflag:s1], $0x400  }
0x57: {  	[sflag:s1] =	ssyncset.done $0x0  }
0x58: {  	[sflag:s1] =	ssyncadd.s32 $0xFFFFFC00  }
.LBB2_3:
0x59: {  	[bflag:$0x0] =	sbarrier.arrive $0xFFFF;
	s8 =	simm.s32 $0x80;
	s6 =	simm.s32 $0x0  }
0x5a: {  	[spmem:s7] =	stream.indirect.scatter.add.f32 [tilespmem:s6], [sflag:$0x1], $0x1, s9, s8, $0xb8;
	[tilespmem:$0x25C0] =	vst v63  }
0x5b: {  	s28 =	simm.s32 $0x1080  }
0x5c: {  	[spmem:s7] =	stream.indirect.scatter.add.f32 [tilespmem:s8], [sflag:$0x1], $0x1, s28, s8, $0xb8;
	[tilespmem:$0x25C0] =	vst v63  }
0x5d: {  	s29 =	simm.s32 $0x1100;
	s10 =	simm.s32 $0x100  }
0x5e: {  	[spmem:s7] =	stream.indirect.scatter.add.f32 [tilespmem:s10], [sflag:$0x1], $0x1, s29, s8, $0xb8;
	[tilespmem:$0x25C0] =	vst v63  }
0x5f: {  	s30 =	simm.s32 $0x1180;
	s31 =	simm.s32 $0x180  }
0x60: {  	[spmem:s7] =	stream.indirect.scatter.add.f32 [tilespmem:s31], [sflag:$0x1], $0x1, s30, s8, $0xb8;
	[tilespmem:$0x25C0] =	vst v63  }
0x61: {  	s11 =	simm.s32 $0x1200;
	s12 =	simm.s32 $0x200  }
0x62: {  	[spmem:s7] =	stream.indirect.scatter.add.f32 [tilespmem:s12], [sflag:$0x1], $0x1, s11, s8, $0xb8;
	[tilespmem:$0x25C0] =	vst v63  }
0x63: {  	s13 =	simm.s32 $0x1280;
	s14 =	simm.s32 $0x280  }
0x64: {  	[spmem:s7] =	stream.indirect.scatter.add.f32 [tilespmem:s14], [sflag:$0x1], $0x1, s13, s8, $0xb8;
	[tilespmem:$0x25C0] =	vst v63  }
0x65: {  	s15 =	simm.s32 $0x1300;
	s16 =	simm.s32 $0x300  }
0x66: {  	[spmem:s7] =	stream.indirect.scatter.add.f32 [tilespmem:s16], [sflag:$0x1], $0x1, s15, s8, $0xb8;
	[tilespmem:$0x25C0] =	vst v63  }
0x67: {  	s17 =	simm.s32 $0x1380;
	s18 =	simm.s32 $0x380  }
0x68: {  	[spmem:s7] =	stream.indirect.scatter.add.f32 [tilespmem:s18], [sflag:$0x1], $0x1, s17, s8, $0xb8;
	[tilespmem:$0x25C0] =	vst v63  }
0x69: {  	s19 =	simm.s32 $0x1400;
	s20 =	simm.s32 $0x400  }
0x6a: {  	[spmem:s7] =	stream.indirect.scatter.add.f32 [tilespmem:s20], [sflag:$0x1], $0x1, s19, s8, $0xb8;
	[tilespmem:$0x25C0] =	vst v63  }
0x6b: {  	s21 =	simm.s32 $0x1480;
	s22 =	simm.s32 $0x480  }
0x6c: {  	[spmem:s7] =	stream.indirect.scatter.add.f32 [tilespmem:s22], [sflag:$0x1], $0x1, s21, s8, $0xb8;
	[tilespmem:$0x25C0] =	vst v63  }
0x6d: {  	s23 =	simm.s32 $0x1500;
	s24 =	simm.s32 $0x500  }
0x6e: {  	[spmem:s7] =	stream.indirect.scatter.add.f32 [tilespmem:s24], [sflag:$0x1], $0x1, s23, s8, $0xb8;
	[tilespmem:$0x25C0] =	vst v63  }
0x6f: {  	s25 =	simm.s32 $0x1580;
	s26 =	simm.s32 $0x580  }
0x70: {  	[spmem:s7] =	stream.indirect.scatter.add.f32 [tilespmem:s26], [sflag:$0x1], $0x1, s25, s8, $0xb8;
	[tilespmem:$0x25C0] =	vst v63  }
0x71: {  	s28 =	simm.s32 $0x1600;
	s29 =	simm.s32 $0x600  }
0x72: {  	[spmem:s7] =	stream.indirect.scatter.add.f32 [tilespmem:s29], [sflag:$0x1], $0x1, s28, s8, $0xb8;
	[tilespmem:$0x25C0] =	vst v63  }
0x73: {  	s30 =	simm.s32 $0x1680;
	s31 =	simm.s32 $0x680  }
0x74: {  	[spmem:s7] =	stream.indirect.scatter.add.f32 [tilespmem:s31], [sflag:$0x1], $0x1, s30, s8, $0xb8;
	[tilespmem:$0x25C0] =	vst v63  }
0x75: {  	s11 =	simm.s32 $0x1700;
	s12 =	simm.s32 $0x700  }
0x76: {  	[spmem:s7] =	stream.indirect.scatter.add.f32 [tilespmem:s12], [sflag:$0x1], $0x1, s11, s8, $0xb8;
	[tilespmem:$0x25C0] =	vst v63  }
0x77: {  	s13 =	simm.s32 $0x1780;
	s14 =	simm.s32 $0x780  }
0x78: {  	[spmem:s7] =	stream.indirect.scatter.add.f32 [tilespmem:s14], [sflag:$0x1], $0x1, s13, s8, $0xb8;
	[tilespmem:$0x25C0] =	vst v63  }
0x79: {  	s15 =	simm.s32 $0x1800;
	s16 =	simm.s32 $0x800  }
0x7a: {  	[spmem:s7] =	stream.indirect.scatter.add.f32 [tilespmem:s16], [sflag:$0x1], $0x1, s15, s8, $0xb8;
	[tilespmem:$0x25C0] =	vst v63  }
0x7b: {  	s17 =	simm.s32 $0x1880;
	s18 =	simm.s32 $0x880  }
0x7c: {  	[spmem:s7] =	stream.indirect.scatter.add.f32 [tilespmem:s18], [sflag:$0x1], $0x1, s17, s8, $0xb8;
	[tilespmem:$0x25C0] =	vst v63  }
0x7d: {  	s19 =	simm.s32 $0x1900;
	s20 =	simm.s32 $0x900  }
0x7e: {  	[spmem:s7] =	stream.indirect.scatter.add.f32 [tilespmem:s20], [sflag:$0x1], $0x1, s19, s8, $0xb8;
	[tilespmem:$0x25C0] =	vst v63  }
0x7f: {  	s21 =	simm.s32 $0x1980;
	s22 =	simm.s32 $0x980  }
0x80: {  	[spmem:s7] =	stream.indirect.scatter.add.f32 [tilespmem:s22], [sflag:$0x1], $0x1, s21, s8, $0xb8;
	[tilespmem:$0x25C0] =	vst v63  }
0x81: {  	s23 =	simm.s32 $0x1A00;
	s24 =	simm.s32 $0xA00  }
0x82: {  	[spmem:s7] =	stream.indirect.scatter.add.f32 [tilespmem:s24], [sflag:$0x1], $0x1, s23, s8, $0xb8;
	[tilespmem:$0x25C0] =	vst v63  }
0x83: {  	s25 =	simm.s32 $0x1A80;
	s26 =	simm.s32 $0xA80  }
0x84: {  	[spmem:s7] =	stream.indirect.scatter.add.f32 [tilespmem:s26], [sflag:$0x1], $0x1, s25, s8, $0xb8;
	[tilespmem:$0x25C0] =	vst v63  }
0x85: {  	s28 =	simm.s32 $0x1B00;
	s29 =	simm.s32 $0xB00  }
0x86: {  	[spmem:s7] =	stream.indirect.scatter.add.f32 [tilespmem:s29], [sflag:$0x1], $0x1, s28, s8, $0xb8;
	[tilespmem:$0x25C0] =	vst v63  }
0x87: {  	s30 =	simm.s32 $0x1B80;
	s31 =	simm.s32 $0xB80  }
0x88: {  	[spmem:s7] =	stream.indirect.scatter.add.f32 [tilespmem:s31], [sflag:$0x1], $0x1, s30, s8, $0xb8;
	[tilespmem:$0x25C0] =	vst v63  }
0x89: {  	s11 =	simm.s32 $0x1C00;
	s12 =	simm.s32 $0xC00  }
0x8a: {  	[spmem:s7] =	stream.indirect.scatter.add.f32 [tilespmem:s12], [sflag:$0x1], $0x1, s11, s8, $0xb8;
	[tilespmem:$0x25C0] =	vst v63  }
0x8b: {  	s13 =	simm.s32 $0x1C80;
	s14 =	simm.s32 $0xC80  }
0x8c: {  	[spmem:s7] =	stream.indirect.scatter.add.f32 [tilespmem:s14], [sflag:$0x1], $0x1, s13, s8, $0xb8;
	[tilespmem:$0x25C0] =	vst v63  }
0x8d: {  	s15 =	simm.s32 $0x1D00;
	s16 =	simm.s32 $0xD00  }
0x8e: {  	[spmem:s7] =	stream.indirect.scatter.add.f32 [tilespmem:s16], [sflag:$0x1], $0x1, s15, s8, $0xb8;
	[tilespmem:$0x25C0] =	vst v63  }
0x8f: {  	s17 =	simm.s32 $0x1D80;
	s18 =	simm.s32 $0xD80  }
0x90: {  	[spmem:s7] =	stream.indirect.scatter.add.f32 [tilespmem:s18], [sflag:$0x1], $0x1, s17, s8, $0xb8;
	[tilespmem:$0x25C0] =	vst v63  }
0x91: {  	s19 =	simm.s32 $0x1E00;
	s20 =	simm.s32 $0xE00  }
0x92: {  	[spmem:s7] =	stream.indirect.scatter.add.f32 [tilespmem:s20], [sflag:$0x1], $0x1, s19, s8, $0xb8;
	[tilespmem:$0x25C0] =	vst v63  }
0x93: {  	s21 =	simm.s32 $0x1E80;
	s22 =	simm.s32 $0xE80  }
0x94: {  	[spmem:s7] =	stream.indirect.scatter.add.f32 [tilespmem:s22], [sflag:$0x1], $0x1, s21, s8, $0xb8;
	[tilespmem:$0x25C0] =	vst v63  }
0x95: {  	s23 =	simm.s32 $0x1F00;
	s24 =	simm.s32 $0xF00  }
0x96: {  	[spmem:s7] =	stream.indirect.scatter.add.f32 [tilespmem:s24], [sflag:$0x1], $0x1, s23, s8, $0xb8;
	[tilespmem:$0x25C0] =	vst v63  }
0x97: {  	s25 =	simm.s32 $0x1F80;
	s26 =	simm.s32 $0xF80;
	s28 =	simm.s32 $0x1  }
0x98: {  	[spmem:s7] =	stream.indirect.scatter.add.f32 [tilespmem:s26], [sflag:$0x1], $0x1, s25, s8, $0xb8;
	[tilespmem:$0x25C0] =	vst v63  }
0x99: {  	_ =	swait.ge [sflag:s28], $0x80  }
0x9a: {  	[sflag:s28] =	ssyncset.done $0x0  }
0x9b: {  	[sflag:s28] =	ssyncadd.s32 $0xFFFFFF80  }
0x9c: {  	_ =	swait.ge [sflag:s28], $0x80  }
0x9d: {  	[sflag:s28] =	ssyncset.done $0x0  }
0x9e: {  	[sflag:s28] =	ssyncadd.s32 $0xFFFFFF80  }
0x9f: {  	_ =	swait.ge [sflag:s28], $0x80  }
0xa0: {  	[sflag:s28] =	ssyncset.done $0x0  }
0xa1: {  	[sflag:s28] =	ssyncadd.s32 $0xFFFFFF80  }
0xa2: {  	_ =	swait.ge [sflag:s28], $0x80  }
0xa3: {  	[sflag:s28] =	ssyncset.done $0x0  }
0xa4: {  	[sflag:s28] =	ssyncadd.s32 $0xFFFFFF80  }
0xa5: {  	_ =	swait.ge [sflag:s28], $0x80  }
0xa6: {  	[sflag:s28] =	ssyncset.done $0x0  }
0xa7: {  	[sflag:s28] =	ssyncadd.s32 $0xFFFFFF80  }
0xa8: {  	_ =	swait.ge [sflag:s28], $0x80  }
0xa9: {  	[sflag:s28] =	ssyncset.done $0x0  }
0xaa: {  	[sflag:s28] =	ssyncadd.s32 $0xFFFFFF80  }
0xab: {  	_ =	swait.ge [sflag:s28], $0x80  }
0xac: {  	[sflag:s28] =	ssyncset.done $0x0  }
0xad: {  	[sflag:s28] =	ssyncadd.s32 $0xFFFFFF80  }
0xae: {  	_ =	swait.ge [sflag:s28], $0x80  }
0xaf: {  	[sflag:s28] =	ssyncset.done $0x0  }
0xb0: {  	[sflag:s28] =	ssyncadd.s32 $0xFFFFFF80  }
0xb1: {  	_ =	swait.ge [sflag:s28], $0x80  }
0xb2: {  	[sflag:s28] =	ssyncset.done $0x0  }
0xb3: {  	[sflag:s28] =	ssyncadd.s32 $0xFFFFFF80  }
0xb4: {  	_ =	swait.ge [sflag:s28], $0x80  }
0xb5: {  	[sflag:s28] =	ssyncset.done $0x0  }
0xb6: {  	[sflag:s28] =	ssyncadd.s32 $0xFFFFFF80  }
0xb7: {  	_ =	swait.ge [sflag:s28], $0x80  }
0xb8: {  	[sflag:s28] =	ssyncset.done $0x0  }
0xb9: {  	[sflag:s28] =	ssyncadd.s32 $0xFFFFFF80  }
0xba: {  	_ =	swait.ge [sflag:s28], $0x80  }
0xbb: {  	[sflag:s28] =	ssyncset.done $0x0  }
0xbc: {  	[sflag:s28] =	ssyncadd.s32 $0xFFFFFF80  }
0xbd: {  	_ =	swait.ge [sflag:s28], $0x80  }
0xbe: {  	[sflag:s28] =	ssyncset.done $0x0  }
0xbf: {  	[sflag:s28] =	ssyncadd.s32 $0xFFFFFF80  }
0xc0: {  	_ =	swait.ge [sflag:s28], $0x80  }
0xc1: {  	[sflag:s28] =	ssyncset.done $0x0  }
0xc2: {  	[sflag:s28] =	ssyncadd.s32 $0xFFFFFF80  }
0xc3: {  	_ =	swait.ge [sflag:s28], $0x80  }
0xc4: {  	[sflag:s28] =	ssyncset.done $0x0  }
0xc5: {  	[sflag:s28] =	ssyncadd.s32 $0xFFFFFF80  }
0xc6: {  	_ =	swait.ge [sflag:s28], $0x80  }
0xc7: {  	[sflag:s28] =	ssyncset.done $0x0  }
0xc8: {  	[sflag:s28] =	ssyncadd.s32 $0xFFFFFF80  }
0xc9: {  	_ =	swait.ge [sflag:s28], $0x80  }
0xca: {  	[sflag:s28] =	ssyncset.done $0x0  }
0xcb: {  	[sflag:s28] =	ssyncadd.s32 $0xFFFFFF80  }
0xcc: {  	_ =	swait.ge [sflag:s28], $0x80  }
0xcd: {  	[sflag:s28] =	ssyncset.done $0x0  }
0xce: {  	[sflag:s28] =	ssyncadd.s32 $0xFFFFFF80  }
0xcf: {  	_ =	swait.ge [sflag:s28], $0x80  }
0xd0: {  	[sflag:s28] =	ssyncset.done $0x0  }
0xd1: {  	[sflag:s28] =	ssyncadd.s32 $0xFFFFFF80  }
0xd2: {  	_ =	swait.ge [sflag:s28], $0x80  }
0xd3: {  	[sflag:s28] =	ssyncset.done $0x0  }
0xd4: {  	[sflag:s28] =	ssyncadd.s32 $0xFFFFFF80  }
0xd5: {  	_ =	swait.ge [sflag:s28], $0x80  }
0xd6: {  	[sflag:s28] =	ssyncset.done $0x0  }
0xd7: {  	[sflag:s28] =	ssyncadd.s32 $0xFFFFFF80  }
0xd8: {  	_ =	swait.ge [sflag:s28], $0x80  }
0xd9: {  	[sflag:s28] =	ssyncset.done $0x0  }
0xda: {  	[sflag:s28] =	ssyncadd.s32 $0xFFFFFF80  }
0xdb: {  	_ =	swait.ge [sflag:s28], $0x80  }
0xdc: {  	[sflag:s28] =	ssyncset.done $0x0  }
0xdd: {  	[sflag:s28] =	ssyncadd.s32 $0xFFFFFF80  }
0xde: {  	_ =	swait.ge [sflag:s28], $0x80  }
0xdf: {  	[sflag:s28] =	ssyncset.done $0x0  }
0xe0: {  	[sflag:s28] =	ssyncadd.s32 $0xFFFFFF80  }
0xe1: {  	_ =	swait.ge [sflag:s28], $0x80  }
0xe2: {  	[sflag:s28] =	ssyncset.done $0x0  }
0xe3: {  	[sflag:s28] =	ssyncadd.s32 $0xFFFFFF80  }
0xe4: {  	_ =	swait.ge [sflag:s28], $0x80  }
0xe5: {  	[sflag:s28] =	ssyncset.done $0x0  }
0xe6: {  	[sflag:s28] =	ssyncadd.s32 $0xFFFFFF80  }
0xe7: {  	_ =	swait.ge [sflag:s28], $0x80  }
0xe8: {  	[sflag:s28] =	ssyncset.done $0x0  }
0xe9: {  	[sflag:s28] =	ssyncadd.s32 $0xFFFFFF80  }
0xea: {  	_ =	swait.ge [sflag:s28], $0x80  }
0xeb: {  	[sflag:s28] =	ssyncset.done $0x0  }
0xec: {  	[sflag:s28] =	ssyncadd.s32 $0xFFFFFF80  }
0xed: {  	_ =	swait.ge [sflag:s28], $0x80  }
0xee: {  	[sflag:s28] =	ssyncset.done $0x0  }
0xef: {  	[sflag:s28] =	ssyncadd.s32 $0xFFFFFF80  }
0xf0: {  	_ =	swait.ge [sflag:s28], $0x80  }
0xf1: {  	[sflag:s28] =	ssyncset.done $0x0  }
0xf2: {  	[sflag:s28] =	ssyncadd.s32 $0xFFFFFF80  }
0xf3: {  	_ =	swait.ge [sflag:s28], $0x80  }
0xf4: {  	[sflag:s28] =	ssyncset.done $0x0  }
0xf5: {  	[sflag:s28] =	ssyncadd.s32 $0xFFFFFF80  }
0xf6: {  	_ =	swait.ge [sflag:s28], $0x80  }
0xf7: {  	[sflag:s28] =	ssyncset.done $0x0  }
0xf8: {  	[sflag:s28] =	ssyncadd.s32 $0xFFFFFF80  }
0xf9: {  	s29 =	simm.s32 $0x24C0;
	[bflag:$0x0] =	sbarrier.arrive $0xFFFF  }
0xfa: {  	[tilespmem:s29], [sflag:$0x2] =	stream.linear.gather [hbm4b:s5+s6], $0x80, $0x38;
	[tilespmem:$0x25C0] =	vst v63  }
0xfb: {  	_ =	swait.ge [sflag:s1], $0x80  }
0xfc: {  	[sflag:s1] =	ssyncset.done $0x0  }
0xfd: {  	s30 =	simm.s32 $0x2540;
	[sflag:s1] =	ssyncadd.s32 $0xFFFFFF80  }
0xfe: {  	[tilespmem:s30], [sflag:$0x2] =	stream.linear.gather [hbm4b:s3+s6], $0x80, $0x38;
	[tilespmem:$0x25C0] =	vst v63  }
0xff: {  	_ =	swait.ge [sflag:s1], $0x80  }
0x100: {  	[sflag:s1] =	ssyncset.done $0x0  }
0x101: {  	s31 =	simm.s32 $0x2440;
	[sflag:s1] =	ssyncadd.s32 $0xFFFFFF80  }
0x102: {  	[tilespmem:s31], [sflag:$0x2] =	stream.linear.gather [spmem:s4], $0x40, $0x38;
	[tilespmem:$0x25C0] =	vst v63  }
0x103: {  	_ =	swait.ge [sflag:s1], $0x40  }
0x104: {  	[sflag:s1] =	ssyncset.done $0x0  }
0x105: {  	[sflag:s1] =	ssyncadd.s32 $0xFFFFFFC0  }
0x106: {  	v0 =	vld [tilespmem:$0x24C0]  }
0x107: {  	v1 =	vld [tilespmem:$0x2540]  }
0x108: {  	v2 =	vld [tilespmem:$0x2440]  }
0x109: {  	v3 =	vld [tilespmem:$0x2450]  }
0x10a: {  	v4 =	vld [tilespmem:$0x2460]  }
0x10b: {  	v5 =	vld [tilespmem:$0x2470];
	_ =	sdelay $0x1  }
0x10c: {  	v2 =	vmul.f32 v2, v0  }
0x10d: {  	v3 =	vmul.f32 v3, v0  }
0x10e: {  	v4 =	vmul.f32 v4, v0;
	v2 =	vadd.f32 v2, v1  }
0x10f: {  	v0 =	vmul.f32 v5, v0;
	v3 =	vadd.f32 v3, v1  }
0x110: {  	v63 =	vadd.f32 v4, v1;
	[tilespmem:$0x2440] =	vst v2  }
0x111: {  	v0 =	vadd.f32 v0, v1;
	[tilespmem:$0x2450] =	vst v3  }
0x112: {  	[tilespmem:$0x2460] =	vst v63  }
0x113: {  	[tilespmem:$0x2470] =	vst v0  }
0x114: {  	[hbm4b:s2+s6] =	stream.linear.scatter [tilespmem:s31], [sflag:$0x2], $0x40, $0x38;
	[tilespmem:$0x25C0] =	vst v63  }
0x115: {  	_ =	swait.ge [sflag:s1], $0x40  }
0x116: {  	[sflag:s1] =	ssyncset.done $0x0  }
0x117: {  	[sflag:s1] =	ssyncadd.s32 $0xFFFFFFC0  }
.LBB2_4:
0x118: {  	_ =	sfence.sel $0x180000  }
0x119: {  	[bflag:$0x0] =	sbarrier.arrive $0xFFFF  }
0x11a: {  	_ =	strace $0x90000047  }
0x11b: {  	s0 =	sadd.s32 @!p0 $0x100000, s0;
	[bflag:$0x2] =	sbarrier.arrive $0xFFFF  }
0x11c: {  	[sflag:s0] =	ssyncadd.tile.s32 @!p0 $0x1;
	_ =	shalt  }
.Lfunc_end2:
_tile_overlayer_lowered:
.L_overlay_start_2:
0x11d: {  	(tag) =	ssettag $0x2  }
0x11e: {  	s0 =	rddreg [dreg:$0x0];
	s2 =	stileid.u32  }
0x11f: {  	s1 =	rddreg [dreg:$0x1];
	p0 =	sne.s32 s2, $0x0  }
0x120: {  	s3 =	rddreg [dreg:$0x2];
	[bflag:$0x3] =	sbarrier.arrive $0xFFFF;
	s2 =	simm.s32 @!p0 $0x1C02  }
0x121: {  	[timem:s3], [sflag:s2] =	dma.local @!p0 [hbm:s0], s1  }
0x122: {  	s0 =	simm.s32 @!p0 $0x2  }
0x123: {  	_ =	swait.ge @!p0 [sflag:s0], s1  }
0x124: {  	s1 =	ssub.s32 @!p0 $0x0, s1;
	[sflag:s0] =	ssyncset.done @!p0 $0x0  }
0x125: {  	[sflag:s0] =	ssyncadd.s32 @!p0 s1  }
0x126: {  	[bflag:$0x3] =	sbarrier.arrive $0xFFFF  }
0x127: {  	_ =	shalt  }

</sc_bundles>
